<compile_context>
chip_gen: v7x
topology: tpu7x:2x2x1
jax: 0.10.2.dev20260603
libtpu: 0.0.44.dev20260713+nightly
codegen_flags: <defaults>
</compile_context>

<pallas_src>
import functools

import jax
import jax.numpy as jnp
from jax import lax
from jax.experimental import pallas as pl
from jax.experimental.pallas import tpu as pltpu
from jax.experimental.pallas import tpu_sc as plsc

B, C = 1024, 50
POS = B * C
QDIMS = (10, 10, 10, 10, 10, 10, 30)
DDIMS = (10, 10, 10, 10, 10, 5, 10)
SCF = (4, 5, 6)
NW = 32
DPW = POS // NW
QPW = B // NW
BB = 32
GRID = B // BB


def _sc_gather(d_tables, q_tables, ddiscT, qdiscT):
  mesh = plsc.VectorSubcoreMesh(core_axis_name="c", subcore_axis_name="s")
  nd = len(SCF)
  ddims = [DDIMS[f] for f in SCF]
  out_type = (
      [jax.ShapeDtypeStruct((POS, d), jnp.float32) for d in ddims]
      + [jax.ShapeDtypeStruct((B, d), jnp.float32) for d in QDIMS]
  )
  scratch_types = (
      [pltpu.VMEM((DPW,), jnp.int32) for _ in range(nd)]
      + [pltpu.VMEM((DPW, d), jnp.float32) for d in ddims]
      + [pltpu.VMEM((QPW,), jnp.int32) for _ in range(7)]
      + [pltpu.VMEM((QPW, d), jnp.float32) for d in QDIMS]
      + [pltpu.SemaphoreType.DMA]
  )

  @functools.partial(pl.kernel, mesh=mesh, out_type=out_type,
                     scratch_types=scratch_types,
                     compiler_params=pltpu.CompilerParams(
                         use_tc_tiling_on_sc=False))
  def gather_kernel(*refs):
    it = iter(range(len(refs)))
    dt = [refs[next(it)] for _ in range(nd)]
    qt = [refs[next(it)] for _ in range(7)]
    ddisc_ref = refs[next(it)]
    qdisc_ref = refs[next(it)]
    douts = [refs[next(it)] for _ in range(nd)]
    qouts = [refs[next(it)] for _ in range(7)]
    didx = [refs[next(it)] for _ in range(nd)]
    dbuf = [refs[next(it)] for _ in range(nd)]
    qidx = [refs[next(it)] for _ in range(7)]
    qbuf = [refs[next(it)] for _ in range(7)]
    sem = refs[next(it)]

    wid = lax.axis_index("s") * 2 + lax.axis_index("c")
    dbase = wid * DPW
    qbase = wid * QPW

    for f in range(nd):
      pltpu.sync_copy(ddisc_ref.at[pl.ds(f * POS + dbase, DPW)], didx[f])
    for f in range(7):
      pltpu.sync_copy(qdisc_ref.at[pl.ds(f * B + qbase, QPW)], qidx[f])

    n_full = DPW // 128
    rem = DPW - n_full * 128
    for f in range(nd):
      def chunk(j, carry, f=f):
        off = pl.multiple_of(j * 128, 128)
        pltpu.async_copy(dt[f].at[didx[f].at[pl.ds(off, 128)]],
                         dbuf[f].at[pl.ds(off, 128), :], sem)
        return carry
      lax.fori_loop(0, n_full, chunk, 0)
      if rem:
        pltpu.async_copy(dt[f].at[didx[f].at[pl.ds(n_full * 128, rem)]],
                         dbuf[f].at[pl.ds(n_full * 128, rem), :], sem)
    for f in range(7):
      pltpu.async_copy(qt[f].at[qidx[f]], qbuf[f], sem)

    for f in range(nd):
      pltpu.make_async_copy(dt[f].at[didx[f]], dbuf[f], sem).wait()
    for f in range(7):
      pltpu.make_async_copy(qt[f].at[qidx[f]], qbuf[f], sem).wait()

    for f in range(nd):
      pltpu.sync_copy(dbuf[f], douts[f].at[pl.ds(dbase, DPW), :])
    for f in range(7):
      pltpu.sync_copy(qbuf[f], qouts[f].at[pl.ds(qbase, QPW), :])

  return gather_kernel(*d_tables, *q_tables, ddiscT, qdiscT)


def _tc_body(*refs):
  (idxs, ratings, qcont, qdisc, dcontF, qdcontF, ddiscF,
   t0, t1, t2, t3, de4, de5, de6,
   qe0, qe1, qe2, qe3, qe4, qe5, qe6,
   Wqc, bqc, Wdc, bdc, Wqd, bqd,
   wq0, wq1, wq2, wq3, wq4, wq5, wq6, bqdisc,
   wd0, wd1, wd2, wd3, wd4, wd5, wd6, bddisc,
   WattnA, WattnB, Wattn, battn, WfinT, bfin, acc) = refs
  small_t = (t0, t1, t2, t3)
  des = (de4, de5, de6)
  qes = (qe0, qe1, qe2, qe3, qe4, qe5, qe6)
  wqs = (wq0, wq1, wq2, wq3, wq4, wq5, wq6)
  wds = (wd0, wd1, wd2, wd3, wd4, wd5, wd6)
  i = pl.program_id(0)
  f32 = jnp.float32
  dot = lambda a, b: jnp.dot(a, b, preferred_element_type=f32)

  qdisc_i = qdisc[...]
  qacc = bqdisc[...]
  for f in range(7):
    m = (qdisc_i[:, f:f + 1] != 0).astype(f32)
    qacc = qacc + m * dot(qes[f][...], wqs[f][...])
  qdisc_h = jnp.tanh(qacc)
  qcont_h = jnp.tanh(dot(qcont[...], Wqc[...]) + bqc[...])
  u_q8 = jnp.tanh(dot(qcont_h, WattnA[...]) + dot(qdisc_h, WattnB[...])
                  + battn[...])

  ddisc_i = ddiscF[...]
  dacc = bddisc[...]
  for k, f in enumerate(SCF):
    m = (ddisc_i[:, f:f + 1] != 0).astype(f32)
    dacc = dacc + m * dot(des[k][...], wds[f][...])
  for f in range(4):
    proj = dot(small_t[f][...], wds[f][...])
    V = small_t[f].shape[0]
    col = ddisc_i[:, f:f + 1]
    oh = (jnp.broadcast_to(col, (BB * C, V))
          == lax.broadcasted_iota(jnp.int32, (BB * C, V), 1)).astype(f32)
    m = (col != 0).astype(f32)
    dacc = dacc + m * dot(oh, proj)
  ddisc_h = jnp.tanh(dacc)
  dcont_h = jnp.tanh(dot(dcontF[...], Wdc[...]) + bdc[...])
  u_d = jnp.tanh(dot(dcont_h, WattnA[...]) + dot(ddisc_h, WattnB[...])
                 + battn[...])
  qdcont_h = jnp.tanh(dot(qdcontF[...], Wqd[...]) + bqd[...])
  u_qd = jnp.tanh(dot(qdcont_h, Wattn[...]) + battn[...])

  r = lax.broadcasted_iota(jnp.int32, (BB * C, BB), 0) // C
  cix = lax.broadcasted_iota(jnp.int32, (BB * C, BB), 1)
  S = (r == cix).astype(f32)
  u_q = dot(S, u_q8)

  rdot = lambda a, b: jnp.sum(a * b, axis=1, keepdims=True)
  g_qq = rdot(u_q, u_q)
  g_qd = rdot(u_q, u_d)
  g_qqd = rdot(u_q, u_qd)
  g_dd = rdot(u_d, u_d)
  g_dqd = rdot(u_d, u_qd)
  g_qdqd = rdot(u_qd, u_qd)

  s0 = jnp.zeros_like(g_qq)
  s1 = jnp.zeros_like(g_qq)
  s2 = jnp.zeros_like(g_qq)
  for a, b, c in ((g_qq, g_qd, g_qqd), (g_qd, g_dd, g_dqd),
                  (g_qqd, g_dqd, g_qdqd)):
    m = jnp.maximum(jnp.maximum(a, b), c)
    ea = jnp.exp(a - m)
    eb = jnp.exp(b - m)
    ec = jnp.exp(c - m)
    inv = 1.0 / (ea + eb + ec)
    s0 = s0 + ea * inv
    s1 = s1 + eb * inv
    s2 = s2 + ec * inv

  wfin = WfinT[...]
  v_q = rdot(u_q, jnp.broadcast_to(wfin, u_q.shape))
  v_d = rdot(u_d, jnp.broadcast_to(wfin, u_d.shape))
  v_qd = rdot(u_qd, jnp.broadcast_to(wfin, u_qd.shape))
  score = s0 * v_q + s1 * v_d + s2 * v_qd + bfin[...]

  rr = lax.broadcasted_iota(jnp.int32, (BB, BB * C), 0)
  cc = lax.broadcasted_iota(jnp.int32, (BB, BB * C), 1)
  ST = (cc // C == rr).astype(f32)
  pcol = lax.broadcasted_iota(jnp.int32, (BB * C, C), 0) % C
  ccol = lax.broadcasted_iota(jnp.int32, (BB * C, C), 1)
  P = jnp.broadcast_to(score, (BB * C, C)) * (pcol == ccol).astype(f32)
  scores2d = dot(ST, P)

  mask2 = (idxs[...] != 0).astype(f32)
  sc = scores2d * mask2
  mx = jnp.max(sc, axis=1, keepdims=True)
  lse = jnp.log(jnp.sum(jnp.exp(sc - mx), axis=1, keepdims=True))
  lsm = sc - mx - lse
  part = jnp.sum(-lsm * ratings[...].astype(f32) * mask2) * (1.0 / B)

  @pl.when(i == 0)
  def _():
    acc[:, :] = jnp.zeros_like(acc)
  acc[:, :] = acc[:, :] + part.reshape(1, 1)


def kernel(candi_doc_idxs, candi_doc_ratings, candi_doc_qcont_features,
           candi_doc_dcont_features, candi_doc_qdcont_features,
           candi_doc_qdiscrete_features, candi_doc_ddiscrete_features,
           q_tables, d_tables, Wqc, bqc, Wdc, bdc, Wqd, bqd,
           Wqdisc, bqdisc, Wddisc, bddisc, Wattn, battn, Wfin, bfin):
  idxs = candi_doc_idxs
  ratings = candi_doc_ratings
  qcont = candi_doc_qcont_features
  dcontF = candi_doc_dcont_features.reshape(POS, -1)
  qdcontF = candi_doc_qdcont_features.reshape(POS, -1)
  qdisc = candi_doc_qdiscrete_features.astype(jnp.int32)
  ddisc = candi_doc_ddiscrete_features.astype(jnp.int32)
  ddiscF = ddisc.reshape(POS, 7)
  ddiscT = jnp.transpose(ddisc[:, :, SCF[0]:], (2, 0, 1)).reshape(
      len(SCF) * POS)
  qdiscT = jnp.transpose(qdisc, (1, 0)).reshape(7 * B)

  gathered = _sc_gather(tuple(d_tables[f] for f in SCF), tuple(q_tables),
                        ddiscT, qdiscT)
  d_embs = gathered[0:len(SCF)]
  q_embs = gathered[len(SCF):]

  qoff, doff = [0], [0]
  for d in QDIMS:
    qoff.append(qoff[-1] + d)
  for d in DDIMS:
    doff.append(doff[-1] + d)
  wqs = [Wqdisc[qoff[f]:qoff[f + 1]] for f in range(7)]
  wds = [Wddisc[doff[f]:doff[f + 1]] for f in range(7)]
  r2 = lambda v: v.reshape(1, -1)
  full = lambda w: pl.BlockSpec(w.shape, lambda i: (0, 0))

  grid_spec = pl.GridSpec(
      grid=(GRID,),
      in_specs=[
          pl.BlockSpec((BB, C), lambda i: (i, 0)),
          pl.BlockSpec((BB, C), lambda i: (i, 0)),
          pl.BlockSpec((BB, 15), lambda i: (i, 0)),
          pl.BlockSpec((BB, 7), lambda i: (i, 0)),
          pl.BlockSpec((BB * C, 25), lambda i: (i, 0)),
          pl.BlockSpec((BB * C, 20), lambda i: (i, 0)),
          pl.BlockSpec((BB * C, 7), lambda i: (i, 0)),
      ]
      + [full(d_tables[f]) for f in range(4)]
      + [pl.BlockSpec((BB * C, DDIMS[f]), lambda i: (i, 0)) for f in SCF]
      + [pl.BlockSpec((BB, d), lambda i: (i, 0)) for d in QDIMS]
      + [full(w) for w in (Wqc, r2(bqc), Wdc, r2(bdc), Wqd, r2(bqd))]
      + [full(w) for w in wqs] + [full(r2(bqdisc))]
      + [full(w) for w in wds] + [full(r2(bddisc))]
      + [full(Wattn[:64]), full(Wattn[64:]), full(Wattn), full(r2(battn)),
         full(Wfin.reshape(1, -1)), full(bfin.reshape(1, 1))],
      out_specs=pl.BlockSpec((1, 1), lambda i: (0, 0)),
  )

  res = pl.pallas_call(
      _tc_body,
      grid_spec=grid_spec,
      out_shape=jax.ShapeDtypeStruct((1, 1), jnp.float32),
      compiler_params=pltpu.CompilerParams(
          dimension_semantics=("arbitrary",)),
  )(idxs, ratings, qcont, qdisc, dcontF, qdcontF, ddiscF,
    *[d_tables[f] for f in range(4)], *d_embs, *q_embs,
    Wqc, r2(bqc), Wdc, r2(bdc), Wqd, r2(bqd),
    *wqs, r2(bqdisc), *wds, r2(bddisc),
    Wattn[:64], Wattn[64:], Wattn, r2(battn), Wfin.reshape(1, -1),
    bfin.reshape(1, 1))
  return res[0, 0]

# --- scband reference (transcript-rebuilt; emitter-appended) ---
"""Pipeline reference for scband-base-email-ranker-68959994904603 (READ-ONLY COPY).

The authoritative reference and input builder live on the scoring server;
editing this copy changes nothing except your own understanding.
"""

import jax, jax.numpy as jnp
import numpy as np

B, C = 1024, 50
QCONT, DCONT, QDCONT = 15, 25, 20
EMB = 128
QVOCABS = [11, 6, 10, 100, 100, 1000, 5]
QDIMS = [10, 10, 10, 10, 10, 10, 30]
DVOCABS = [3, 4, 3, 4, 1000, 1000000, 100000]
DDIMS = [10, 10, 10, 10, 10, 5, 10]


def setup_inputs(seed: int = 0) -> dict:
    key = jax.random.key(seed)
    ks = iter(jax.random.split(key, 64))
    nk = lambda: next(ks)
    inp = {}
    inp['candi_doc_idxs'] = jax.random.randint(nk(), (B, C), 0, 100000)
    inp['candi_doc_ratings'] = jax.random.randint(nk(), (B, C), 0, 5)
    inp['candi_doc_qcont_features'] = jax.random.normal(nk(), (B, QCONT), dtype=jnp.float32)
    inp['candi_doc_dcont_features'] = jax.random.normal(nk(), (B, C, DCONT), dtype=jnp.float32)
    inp['candi_doc_qdcont_features'] = jax.random.normal(nk(), (B, C, QDCONT), dtype=jnp.float32)
    inp['candi_doc_qdiscrete_features'] = jax.random.randint(nk(), (B, 7), 0, 5)
    inp['candi_doc_ddiscrete_features'] = jax.random.randint(nk(), (B, C, 7), 0, 3)
    inp['q_tables'] = [jax.random.normal(nk(), (v, d), dtype=jnp.float32) * 0.1 for v, d in zip(QVOCABS, QDIMS)]
    inp['d_tables'] = [jax.random.normal(nk(), (v, d), dtype=jnp.float32) * 0.1 for v, d in zip(DVOCABS, DDIMS)]
    def lin(k, i, o):
        k1, k2 = jax.random.split(k)
        return (jax.random.normal(k1, (i, o), dtype=jnp.float32) * 0.05,
                jax.random.normal(k2, (o,), dtype=jnp.float32) * 0.05)
    inp['Wqc'], inp['bqc'] = lin(nk(), QCONT, EMB // 2)
    inp['Wdc'], inp['bdc'] = lin(nk(), DCONT, EMB // 2)
    inp['Wqd'], inp['bqd'] = lin(nk(), QDCONT, EMB)
    inp['Wqdisc'], inp['bqdisc'] = lin(nk(), sum(QDIMS), EMB // 2)
    inp['Wddisc'], inp['bddisc'] = lin(nk(), sum(DDIMS), EMB // 2)
    inp['Wattn'], inp['battn'] = lin(nk(), EMB, EMB)
    inp['Wfin'], inp['bfin'] = lin(nk(), EMB, 1)
    return inp


def _forward(idxs, ratings, qcont, dcont, qdcont, qdisc, ddisc, q_tables, d_tables,
             Wqc, bqc, Wdc, bdc, Wqd, bqd, Wqdisc, bqdisc, Wddisc, bddisc,
             Wattn, battn, Wfin, bfin):
    mask = (idxs != 0).astype(jnp.float32)
    qcont_h = jnp.tanh(qcont @ Wqc + bqc)
    dcont_h = jnp.tanh(dcont @ Wdc + bdc)
    qdcont_h = jnp.tanh(qdcont @ Wqd + bqd)
    # per-field embedding lookups; padding_idx=0 -> row 0 forced to zero
    q_embs = [t.at[0].set(0.0)[qdisc[:, i]] for i, t in enumerate(q_tables)]
    qdisc_h = jnp.tanh(jnp.concatenate(q_embs, axis=-1) @ Wqdisc + bqdisc)
    d_embs = [t.at[0].set(0.0)[ddisc[:, :, i]] for i, t in enumerate(d_tables)]
    ddisc_h = jnp.tanh(jnp.concatenate(d_embs, axis=-1) @ Wddisc + bddisc)
    q_h = jnp.concatenate([qcont_h, qdisc_h], axis=-1)
    d_h = jnp.concatenate([dcont_h, ddisc_h], axis=-1)
    q_h = jnp.broadcast_to(q_h[:, None, :], d_h.shape)
    u_q = jnp.tanh(q_h @ Wattn + battn)
    u_d = jnp.tanh(d_h @ Wattn + battn)
    u_qd = jnp.tanh(qdcont_h @ Wattn + battn)
    all_units = jnp.stack([u_q, u_d, u_qd], axis=-2)  # [B, C, 3, EMB]
    attn = jax.nn.softmax(jnp.matmul(all_units, jnp.swapaxes(all_units, -1, -2)), axis=-1)
    aggr = jnp.matmul(attn, all_units).sum(axis=-2)  # [B, C, EMB]
    scores = (aggr @ Wfin + bfin).squeeze(-1)  # [B, C]
    scores = scores * mask
    loss = -jax.nn.log_softmax(scores, axis=-1) * ratings.astype(jnp.float32)
    loss = loss * mask
    return loss.sum(-1).mean()


def reference(candi_doc_idxs, candi_doc_ratings, candi_doc_qcont_features,
              candi_doc_dcont_features, candi_doc_qdcont_features,
              candi_doc_qdiscrete_features, candi_doc_ddiscrete_features,
              q_tables, d_tables, Wqc, bqc, Wdc, bdc, Wqd, bqd,
              Wqdisc, bqdisc, Wddisc, bddisc, Wattn, battn, Wfin, bfin):
    return _forward(candi_doc_idxs, candi_doc_ratings, candi_doc_qcont_features,
                    candi_doc_dcont_features, candi_doc_qdcont_features,
                    candi_doc_qdiscrete_features, candi_doc_ddiscrete_features,
                    q_tables, d_tables, Wqc, bqc, Wdc, bdc, Wqd, bqd,
                    Wqdisc, bqdisc, Wddisc, bddisc, Wattn, battn, Wfin, bfin)

if __name__ == "__main__":
    import jax
    _d = setup_inputs()
    print(jax.jit(kernel)(*tuple(_d.values())))

</pallas_src>

<mosaic_0001>
#map = affine_map<(d0, d1) -> (0, 0)>
#map1 = affine_map<(d0, d1) -> (0)>
module attributes {stable_mosaic.version = 14 : i64} {
  func.func @gather_kernel(%arg0: i32, %arg1: i32, %arg2: memref<1000x10xf32, #tpu.memory_space<hbm>>, %arg3: memref<1000000x5xf32, #tpu.memory_space<hbm>>, %arg4: memref<100000x10xf32, #tpu.memory_space<hbm>>, %arg5: memref<11x10xf32, #tpu.memory_space<hbm>>, %arg6: memref<6x10xf32, #tpu.memory_space<hbm>>, %arg7: memref<10x10xf32, #tpu.memory_space<hbm>>, %arg8: memref<100x10xf32, #tpu.memory_space<hbm>>, %arg9: memref<100x10xf32, #tpu.memory_space<hbm>>, %arg10: memref<1000x10xf32, #tpu.memory_space<hbm>>, %arg11: memref<5x30xf32, #tpu.memory_space<hbm>>, %arg12: memref<153600xi32, #tpu.memory_space<hbm>>, %arg13: memref<7168xi32, #tpu.memory_space<hbm>>, %arg14: memref<51200x10xf32, #tpu.memory_space<hbm>>, %arg15: memref<51200x5xf32, #tpu.memory_space<hbm>>, %arg16: memref<51200x10xf32, #tpu.memory_space<hbm>>, %arg17: memref<1024x10xf32, #tpu.memory_space<hbm>>, %arg18: memref<1024x10xf32, #tpu.memory_space<hbm>>, %arg19: memref<1024x10xf32, #tpu.memory_space<hbm>>, %arg20: memref<1024x10xf32, #tpu.memory_space<hbm>>, %arg21: memref<1024x10xf32, #tpu.memory_space<hbm>>, %arg22: memref<1024x10xf32, #tpu.memory_space<hbm>>, %arg23: memref<1024x30xf32, #tpu.memory_space<hbm>>, %arg24: memref<1600xi32, #tpu.memory_space<vmem>>, %arg25: memref<1600xi32, #tpu.memory_space<vmem>>, %arg26: memref<1600xi32, #tpu.memory_space<vmem>>, %arg27: memref<1600x10xf32, #tpu.memory_space<vmem>>, %arg28: memref<1600x5xf32, #tpu.memory_space<vmem>>, %arg29: memref<1600x10xf32, #tpu.memory_space<vmem>>, %arg30: memref<32xi32, #tpu.memory_space<vmem>>, %arg31: memref<32xi32, #tpu.memory_space<vmem>>, %arg32: memref<32xi32, #tpu.memory_space<vmem>>, %arg33: memref<32xi32, #tpu.memory_space<vmem>>, %arg34: memref<32xi32, #tpu.memory_space<vmem>>, %arg35: memref<32xi32, #tpu.memory_space<vmem>>, %arg36: memref<32xi32, #tpu.memory_space<vmem>>, %arg37: memref<32x10xf32, #tpu.memory_space<vmem>>, %arg38: memref<32x10xf32, #tpu.memory_space<vmem>>, %arg39: memref<32x10xf32, #tpu.memory_space<vmem>>, %arg40: memref<32x10xf32, #tpu.memory_space<vmem>>, %arg41: memref<32x10xf32, #tpu.memory_space<vmem>>, %arg42: memref<32x10xf32, #tpu.memory_space<vmem>>, %arg43: memref<32x30xf32, #tpu.memory_space<vmem>>, %arg44: memref<!tpu.dma_semaphore, #tpu.memory_space<semaphore_mem>>) attributes {dimension_semantics = [#tpu.dimension_semantics<core_parallel>, #tpu.dimension_semantics<subcore_parallel>], iteration_bounds = array<i64: 2, 16>, scalar_prefetch = 0 : i64, scratch_operands = 21 : i64, tpu.core_type = #tpu.core_type<sc_vector_subcore>, window_params = [{transform_indices = #map}, {transform_indices = #map}, {transform_indices = #map}, {transform_indices = #map}, {transform_indices = #map}, {transform_indices = #map}, {transform_indices = #map}, {transform_indices = #map}, {transform_indices = #map}, {transform_indices = #map}, {transform_indices = #map1}, {transform_indices = #map1}, {transform_indices = #map}, {transform_indices = #map}, {transform_indices = #map}, {transform_indices = #map}, {transform_indices = #map}, {transform_indices = #map}, {transform_indices = #map}, {transform_indices = #map}, {transform_indices = #map}, {transform_indices = #map}]} {
    %mul3A = arith.constant 2 : i32
    %mul3A_0 = arith.muli %arg1, %mul3A : i32
    %add3A = arith.addi %mul3A_0, %arg0 : i32
    %mul3A_1 = arith.constant 1600 : i32
    %mul3A_2 = arith.muli %add3A, %mul3A_1 : i32
    %mul3A_3 = arith.constant 32 : i32
    %mul3A_4 = arith.muli %add3A, %mul3A_3 : i32
    %add3A_5 = arith.constant 0 : i32
    %add3A_6 = arith.addi %add3A_5, %mul3A_2 : i32
    "tpu.region"() ({
      %run_scoped3A = tpu.sem_alloc : memref<!tpu.dma_semaphore, #tpu.memory_space<semaphore_mem>>
      %dma_start3A_115 = tpu.memref_slice %arg12[%add3A_6] : memref<153600xi32, #tpu.memory_space<hbm>> -> memref<1600xi32, #tpu.memory_space<hbm>>
      %dma_start3A_116 = tpu.memref_slice %arg12[%add3A_6] : memref<153600xi32, #tpu.memory_space<hbm>> -> memref<1600xi32, #tpu.memory_space<hbm>>
      tpu.enqueue_dma source(%dma_start3A_116 : memref<1600xi32, #tpu.memory_space<hbm>>) target(%arg24 : memref<1600xi32, #tpu.memory_space<vmem>>) target_semaphore(%run_scoped3A : memref<!tpu.dma_semaphore, #tpu.memory_space<semaphore_mem>>)
      %dma_wait3A_117 = tpu.memref_slice %arg12[%add3A_6] : memref<153600xi32, #tpu.memory_space<hbm>> -> memref<1600xi32, #tpu.memory_space<hbm>>
      %dma_wait3A_118 = tpu.memref_slice %arg12[%add3A_6] : memref<153600xi32, #tpu.memory_space<hbm>> -> memref<1600xi32, #tpu.memory_space<hbm>>
      tpu.wait_dma2 semaphore(%run_scoped3A : memref<!tpu.dma_semaphore, #tpu.memory_space<semaphore_mem>>) src(%dma_wait3A_118 : memref<1600xi32, #tpu.memory_space<hbm>>) dst(%arg24 : memref<1600xi32, #tpu.memory_space<vmem>>)
      tpu.yield
    }) : () -> ()
    %add3A_7 = arith.constant 51200 : i32
    %add3A_8 = arith.addi %add3A_7, %mul3A_2 : i32
    "tpu.region"() ({
      %run_scoped3A = tpu.sem_alloc : memref<!tpu.dma_semaphore, #tpu.memory_space<semaphore_mem>>
      %dma_start3A_115 = tpu.memref_slice %arg12[%add3A_8] : memref<153600xi32, #tpu.memory_space<hbm>> -> memref<1600xi32, #tpu.memory_space<hbm>>
      %dma_start3A_116 = tpu.memref_slice %arg12[%add3A_8] : memref<153600xi32, #tpu.memory_space<hbm>> -> memref<1600xi32, #tpu.memory_space<hbm>>
      tpu.enqueue_dma source(%dma_start3A_116 : memref<1600xi32, #tpu.memory_space<hbm>>) target(%arg25 : memref<1600xi32, #tpu.memory_space<vmem>>) target_semaphore(%run_scoped3A : memref<!tpu.dma_semaphore, #tpu.memory_space<semaphore_mem>>)
      %dma_wait3A_117 = tpu.memref_slice %arg12[%add3A_8] : memref<153600xi32, #tpu.memory_space<hbm>> -> memref<1600xi32, #tpu.memory_space<hbm>>
      %dma_wait3A_118 = tpu.memref_slice %arg12[%add3A_8] : memref<153600xi32, #tpu.memory_space<hbm>> -> memref<1600xi32, #tpu.memory_space<hbm>>
      tpu.wait_dma2 semaphore(%run_scoped3A : memref<!tpu.dma_semaphore, #tpu.memory_space<semaphore_mem>>) src(%dma_wait3A_118 : memref<1600xi32, #tpu.memory_space<hbm>>) dst(%arg25 : memref<1600xi32, #tpu.memory_space<vmem>>)
      tpu.yield
    }) : () -> ()
    %add3A_9 = arith.constant 102400 : i32
    %add3A_10 = arith.addi %add3A_9, %mul3A_2 : i32
    "tpu.region"() ({
      %run_scoped3A = tpu.sem_alloc : memref<!tpu.dma_semaphore, #tpu.memory_space<semaphore_mem>>
      %dma_start3A_115 = tpu.memref_slice %arg12[%add3A_10] : memref<153600xi32, #tpu.memory_space<hbm>> -> memref<1600xi32, #tpu.memory_space<hbm>>
      %dma_start3A_116 = tpu.memref_slice %arg12[%add3A_10] : memref<153600xi32, #tpu.memory_space<hbm>> -> memref<1600xi32, #tpu.memory_space<hbm>>
      tpu.enqueue_dma source(%dma_start3A_116 : memref<1600xi32, #tpu.memory_space<hbm>>) target(%arg26 : memref<1600xi32, #tpu.memory_space<vmem>>) target_semaphore(%run_scoped3A : memref<!tpu.dma_semaphore, #tpu.memory_space<semaphore_mem>>)
      %dma_wait3A_117 = tpu.memref_slice %arg12[%add3A_10] : memref<153600xi32, #tpu.memory_space<hbm>> -> memref<1600xi32, #tpu.memory_space<hbm>>
      %dma_wait3A_118 = tpu.memref_slice %arg12[%add3A_10] : memref<153600xi32, #tpu.memory_space<hbm>> -> memref<1600xi32, #tpu.memory_space<hbm>>
      tpu.wait_dma2 semaphore(%run_scoped3A : memref<!tpu.dma_semaphore, #tpu.memory_space<semaphore_mem>>) src(%dma_wait3A_118 : memref<1600xi32, #tpu.memory_space<hbm>>) dst(%arg26 : memref<1600xi32, #tpu.memory_space<vmem>>)
      tpu.yield
    }) : () -> ()
    %add3A_11 = arith.constant 0 : i32
    %add3A_12 = arith.addi %add3A_11, %mul3A_4 : i32
    "tpu.region"() ({
      %run_scoped3A = tpu.sem_alloc : memref<!tpu.dma_semaphore, #tpu.memory_space<semaphore_mem>>
      %dma_start3A_115 = tpu.memref_slice %arg13[%add3A_12] : memref<7168xi32, #tpu.memory_space<hbm>> -> memref<32xi32, #tpu.memory_space<hbm>>
      %dma_start3A_116 = tpu.memref_slice %arg13[%add3A_12] : memref<7168xi32, #tpu.memory_space<hbm>> -> memref<32xi32, #tpu.memory_space<hbm>>
      tpu.enqueue_dma source(%dma_start3A_116 : memref<32xi32, #tpu.memory_space<hbm>>) target(%arg30 : memref<32xi32, #tpu.memory_space<vmem>>) target_semaphore(%run_scoped3A : memref<!tpu.dma_semaphore, #tpu.memory_space<semaphore_mem>>)
      %dma_wait3A_117 = tpu.memref_slice %arg13[%add3A_12] : memref<7168xi32, #tpu.memory_space<hbm>> -> memref<32xi32, #tpu.memory_space<hbm>>
      %dma_wait3A_118 = tpu.memref_slice %arg13[%add3A_12] : memref<7168xi32, #tpu.memory_space<hbm>> -> memref<32xi32, #tpu.memory_space<hbm>>
      tpu.wait_dma2 semaphore(%run_scoped3A : memref<!tpu.dma_semaphore, #tpu.memory_space<semaphore_mem>>) src(%dma_wait3A_118 : memref<32xi32, #tpu.memory_space<hbm>>) dst(%arg30 : memref<32xi32, #tpu.memory_space<vmem>>)
      tpu.yield
    }) : () -> ()
    %add3A_13 = arith.constant 1024 : i32
    %add3A_14 = arith.addi %add3A_13, %mul3A_4 : i32
    "tpu.region"() ({
      %run_scoped3A = tpu.sem_alloc : memref<!tpu.dma_semaphore, #tpu.memory_space<semaphore_mem>>
      %dma_start3A_115 = tpu.memref_slice %arg13[%add3A_14] : memref<7168xi32, #tpu.memory_space<hbm>> -> memref<32xi32, #tpu.memory_space<hbm>>
      %dma_start3A_116 = tpu.memref_slice %arg13[%add3A_14] : memref<7168xi32, #tpu.memory_space<hbm>> -> memref<32xi32, #tpu.memory_space<hbm>>
      tpu.enqueue_dma source(%dma_start3A_116 : memref<32xi32, #tpu.memory_space<hbm>>) target(%arg31 : memref<32xi32, #tpu.memory_space<vmem>>) target_semaphore(%run_scoped3A : memref<!tpu.dma_semaphore, #tpu.memory_space<semaphore_mem>>)
      %dma_wait3A_117 = tpu.memref_slice %arg13[%add3A_14] : memref<7168xi32, #tpu.memory_space<hbm>> -> memref<32xi32, #tpu.memory_space<hbm>>
      %dma_wait3A_118 = tpu.memref_slice %arg13[%add3A_14] : memref<7168xi32, #tpu.memory_space<hbm>> -> memref<32xi32, #tpu.memory_space<hbm>>
      tpu.wait_dma2 semaphore(%run_scoped3A : memref<!tpu.dma_semaphore, #tpu.memory_space<semaphore_mem>>) src(%dma_wait3A_118 : memref<32xi32, #tpu.memory_space<hbm>>) dst(%arg31 : memref<32xi32, #tpu.memory_space<vmem>>)
      tpu.yield
    }) : () -> ()
    %add3A_15 = arith.constant 2048 : i32
    %add3A_16 = arith.addi %add3A_15, %mul3A_4 : i32
    "tpu.region"() ({
      %run_scoped3A = tpu.sem_alloc : memref<!tpu.dma_semaphore, #tpu.memory_space<semaphore_mem>>
      %dma_start3A_115 = tpu.memref_slice %arg13[%add3A_16] : memref<7168xi32, #tpu.memory_space<hbm>> -> memref<32xi32, #tpu.memory_space<hbm>>
      %dma_start3A_116 = tpu.memref_slice %arg13[%add3A_16] : memref<7168xi32, #tpu.memory_space<hbm>> -> memref<32xi32, #tpu.memory_space<hbm>>
      tpu.enqueue_dma source(%dma_start3A_116 : memref<32xi32, #tpu.memory_space<hbm>>) target(%arg32 : memref<32xi32, #tpu.memory_space<vmem>>) target_semaphore(%run_scoped3A : memref<!tpu.dma_semaphore, #tpu.memory_space<semaphore_mem>>)
      %dma_wait3A_117 = tpu.memref_slice %arg13[%add3A_16] : memref<7168xi32, #tpu.memory_space<hbm>> -> memref<32xi32, #tpu.memory_space<hbm>>
      %dma_wait3A_118 = tpu.memref_slice %arg13[%add3A_16] : memref<7168xi32, #tpu.memory_space<hbm>> -> memref<32xi32, #tpu.memory_space<hbm>>
      tpu.wait_dma2 semaphore(%run_scoped3A : memref<!tpu.dma_semaphore, #tpu.memory_space<semaphore_mem>>) src(%dma_wait3A_118 : memref<32xi32, #tpu.memory_space<hbm>>) dst(%arg32 : memref<32xi32, #tpu.memory_space<vmem>>)
      tpu.yield
    }) : () -> ()
    %add3A_17 = arith.constant 3072 : i32
    %add3A_18 = arith.addi %add3A_17, %mul3A_4 : i32
    "tpu.region"() ({
      %run_scoped3A = tpu.sem_alloc : memref<!tpu.dma_semaphore, #tpu.memory_space<semaphore_mem>>
      %dma_start3A_115 = tpu.memref_slice %arg13[%add3A_18] : memref<7168xi32, #tpu.memory_space<hbm>> -> memref<32xi32, #tpu.memory_space<hbm>>
      %dma_start3A_116 = tpu.memref_slice %arg13[%add3A_18] : memref<7168xi32, #tpu.memory_space<hbm>> -> memref<32xi32, #tpu.memory_space<hbm>>
      tpu.enqueue_dma source(%dma_start3A_116 : memref<32xi32, #tpu.memory_space<hbm>>) target(%arg33 : memref<32xi32, #tpu.memory_space<vmem>>) target_semaphore(%run_scoped3A : memref<!tpu.dma_semaphore, #tpu.memory_space<semaphore_mem>>)
      %dma_wait3A_117 = tpu.memref_slice %arg13[%add3A_18] : memref<7168xi32, #tpu.memory_space<hbm>> -> memref<32xi32, #tpu.memory_space<hbm>>
      %dma_wait3A_118 = tpu.memref_slice %arg13[%add3A_18] : memref<7168xi32, #tpu.memory_space<hbm>> -> memref<32xi32, #tpu.memory_space<hbm>>
      tpu.wait_dma2 semaphore(%run_scoped3A : memref<!tpu.dma_semaphore, #tpu.memory_space<semaphore_mem>>) src(%dma_wait3A_118 : memref<32xi32, #tpu.memory_space<hbm>>) dst(%arg33 : memref<32xi32, #tpu.memory_space<vmem>>)
      tpu.yield
    }) : () -> ()
    %add3A_19 = arith.constant 4096 : i32
    %add3A_20 = arith.addi %add3A_19, %mul3A_4 : i32
    "tpu.region"() ({
      %run_scoped3A = tpu.sem_alloc : memref<!tpu.dma_semaphore, #tpu.memory_space<semaphore_mem>>
      %dma_start3A_115 = tpu.memref_slice %arg13[%add3A_20] : memref<7168xi32, #tpu.memory_space<hbm>> -> memref<32xi32, #tpu.memory_space<hbm>>
      %dma_start3A_116 = tpu.memref_slice %arg13[%add3A_20] : memref<7168xi32, #tpu.memory_space<hbm>> -> memref<32xi32, #tpu.memory_space<hbm>>
      tpu.enqueue_dma source(%dma_start3A_116 : memref<32xi32, #tpu.memory_space<hbm>>) target(%arg34 : memref<32xi32, #tpu.memory_space<vmem>>) target_semaphore(%run_scoped3A : memref<!tpu.dma_semaphore, #tpu.memory_space<semaphore_mem>>)
      %dma_wait3A_117 = tpu.memref_slice %arg13[%add3A_20] : memref<7168xi32, #tpu.memory_space<hbm>> -> memref<32xi32, #tpu.memory_space<hbm>>
      %dma_wait3A_118 = tpu.memref_slice %arg13[%add3A_20] : memref<7168xi32, #tpu.memory_space<hbm>> -> memref<32xi32, #tpu.memory_space<hbm>>
      tpu.wait_dma2 semaphore(%run_scoped3A : memref<!tpu.dma_semaphore, #tpu.memory_space<semaphore_mem>>) src(%dma_wait3A_118 : memref<32xi32, #tpu.memory_space<hbm>>) dst(%arg34 : memref<32xi32, #tpu.memory_space<vmem>>)
      tpu.yield
    }) : () -> ()
    %add3A_21 = arith.constant 5120 : i32
    %add3A_22 = arith.addi %add3A_21, %mul3A_4 : i32
    "tpu.region"() ({
      %run_scoped3A = tpu.sem_alloc : memref<!tpu.dma_semaphore, #tpu.memory_space<semaphore_mem>>
      %dma_start3A_115 = tpu.memref_slice %arg13[%add3A_22] : memref<7168xi32, #tpu.memory_space<hbm>> -> memref<32xi32, #tpu.memory_space<hbm>>
      %dma_start3A_116 = tpu.memref_slice %arg13[%add3A_22] : memref<7168xi32, #tpu.memory_space<hbm>> -> memref<32xi32, #tpu.memory_space<hbm>>
      tpu.enqueue_dma source(%dma_start3A_116 : memref<32xi32, #tpu.memory_space<hbm>>) target(%arg35 : memref<32xi32, #tpu.memory_space<vmem>>) target_semaphore(%run_scoped3A : memref<!tpu.dma_semaphore, #tpu.memory_space<semaphore_mem>>)
      %dma_wait3A_117 = tpu.memref_slice %arg13[%add3A_22] : memref<7168xi32, #tpu.memory_space<hbm>> -> memref<32xi32, #tpu.memory_space<hbm>>
      %dma_wait3A_118 = tpu.memref_slice %arg13[%add3A_22] : memref<7168xi32, #tpu.memory_space<hbm>> -> memref<32xi32, #tpu.memory_space<hbm>>
      tpu.wait_dma2 semaphore(%run_scoped3A : memref<!tpu.dma_semaphore, #tpu.memory_space<semaphore_mem>>) src(%dma_wait3A_118 : memref<32xi32, #tpu.memory_space<hbm>>) dst(%arg35 : memref<32xi32, #tpu.memory_space<vmem>>)
      tpu.yield
    }) : () -> ()
    %add3A_23 = arith.constant 6144 : i32
    %add3A_24 = arith.addi %add3A_23, %mul3A_4 : i32
    "tpu.region"() ({
      %run_scoped3A = tpu.sem_alloc : memref<!tpu.dma_semaphore, #tpu.memory_space<semaphore_mem>>
      %dma_start3A_115 = tpu.memref_slice %arg13[%add3A_24] : memref<7168xi32, #tpu.memory_space<hbm>> -> memref<32xi32, #tpu.memory_space<hbm>>
      %dma_start3A_116 = tpu.memref_slice %arg13[%add3A_24] : memref<7168xi32, #tpu.memory_space<hbm>> -> memref<32xi32, #tpu.memory_space<hbm>>
      tpu.enqueue_dma source(%dma_start3A_116 : memref<32xi32, #tpu.memory_space<hbm>>) target(%arg36 : memref<32xi32, #tpu.memory_space<vmem>>) target_semaphore(%run_scoped3A : memref<!tpu.dma_semaphore, #tpu.memory_space<semaphore_mem>>)
      %dma_wait3A_117 = tpu.memref_slice %arg13[%add3A_24] : memref<7168xi32, #tpu.memory_space<hbm>> -> memref<32xi32, #tpu.memory_space<hbm>>
      %dma_wait3A_118 = tpu.memref_slice %arg13[%add3A_24] : memref<7168xi32, #tpu.memory_space<hbm>> -> memref<32xi32, #tpu.memory_space<hbm>>
      tpu.wait_dma2 semaphore(%run_scoped3A : memref<!tpu.dma_semaphore, #tpu.memory_space<semaphore_mem>>) src(%dma_wait3A_118 : memref<32xi32, #tpu.memory_space<hbm>>) dst(%arg36 : memref<32xi32, #tpu.memory_space<vmem>>)
      tpu.yield
    }) : () -> ()
    %scan3A = arith.constant 0 : i32
    %scan3A_25 = arith.constant 0 : i32
    %scan3A_26 = arith.constant 12 : i32
    %scan3A_27 = arith.addi %scan3A_25, %scan3A_26 : i32
    %scan3A_28 = arith.constant 1 : i32
    scf.for %scan3A_115 = %scan3A_25 to %scan3A_27 step %scan3A_28  : i32 {
      %mul3A_116 = arith.constant 128 : i32
      %mul3A_117 = arith.muli %scan3A_115, %mul3A_116 : i32
      %multiple_of3A = tpu.assume_multiple %mul3A_117, 128 : i32
      %dma_start3A_118 = arith.constant 0 : i32
      %dma_start3A_119 = tpu.memref_slice %arg27[%multiple_of3A, %dma_start3A_118] : memref<1600x10xf32, #tpu.memory_space<vmem>> -> memref<128x10xf32, #tpu.memory_space<vmem>>
      %dma_start3A_120 = tpu.memref_slice %arg24[%multiple_of3A] : memref<1600xi32, #tpu.memory_space<vmem>> -> memref<128xi32, #tpu.memory_space<vmem>>
      %dma_start3A_121 = arith.constant 0 : i32
      %dma_start3A_122 = arith.constant 0 : i32
      %dma_start3A_123 = tpu.memref_slice %arg2[%dma_start3A_121, %dma_start3A_122] : memref<1000x10xf32, #tpu.memory_space<hbm>> -> memref<1000x10xf32, #tpu.memory_space<hbm>>
      tpu.enqueue_indirect_dma source(%dma_start3A_123 : memref<1000x10xf32, #tpu.memory_space<hbm>>) target(%dma_start3A_119 : memref<128x10xf32, #tpu.memory_space<vmem>>) offsets(%dma_start3A_120 : memref<128xi32, #tpu.memory_space<vmem>>) semaphore(%arg44 : memref<!tpu.dma_semaphore, #tpu.memory_space<semaphore_mem>>)
    }
    %scan3A_29 = arith.constant 12 : i32
    %dma_start3A = arith.constant 1536 : i32
    %dma_start3A_30 = arith.constant 0 : i32
    %dma_start3A_31 = tpu.memref_slice %arg27[%dma_start3A, %dma_start3A_30] : memref<1600x10xf32, #tpu.memory_space<vmem>> -> memref<64x10xf32, #tpu.memory_space<vmem>>
    %dma_start3A_32 = arith.constant 1536 : i32
    %dma_start3A_33 = tpu.memref_slice %arg24[%dma_start3A_32] : memref<1600xi32, #tpu.memory_space<vmem>> -> memref<64xi32, #tpu.memory_space<vmem>>
    %dma_start3A_34 = arith.constant 0 : i32
    %dma_start3A_35 = arith.constant 0 : i32
    %dma_start3A_36 = tpu.memref_slice %arg2[%dma_start3A_34, %dma_start3A_35] : memref<1000x10xf32, #tpu.memory_space<hbm>> -> memref<1000x10xf32, #tpu.memory_space<hbm>>
    tpu.enqueue_indirect_dma source(%dma_start3A_36 : memref<1000x10xf32, #tpu.memory_space<hbm>>) target(%dma_start3A_31 : memref<64x10xf32, #tpu.memory_space<vmem>>) offsets(%dma_start3A_33 : memref<64xi32, #tpu.memory_space<vmem>>) semaphore(%arg44 : memref<!tpu.dma_semaphore, #tpu.memory_space<semaphore_mem>>)
    %scan3A_37 = arith.constant 0 : i32
    %scan3A_38 = arith.constant 0 : i32
    %scan3A_39 = arith.constant 12 : i32
    %scan3A_40 = arith.addi %scan3A_38, %scan3A_39 : i32
    %scan3A_41 = arith.constant 1 : i32
    scf.for %scan3A_115 = %scan3A_38 to %scan3A_40 step %scan3A_41  : i32 {
      %mul3A_116 = arith.constant 128 : i32
      %mul3A_117 = arith.muli %scan3A_115, %mul3A_116 : i32
      %multiple_of3A = tpu.assume_multiple %mul3A_117, 128 : i32
      %dma_start3A_118 = arith.constant 0 : i32
      %dma_start3A_119 = tpu.memref_slice %arg28[%multiple_of3A, %dma_start3A_118] : memref<1600x5xf32, #tpu.memory_space<vmem>> -> memref<128x5xf32, #tpu.memory_space<vmem>>
      %dma_start3A_120 = tpu.memref_slice %arg25[%multiple_of3A] : memref<1600xi32, #tpu.memory_space<vmem>> -> memref<128xi32, #tpu.memory_space<vmem>>
      %dma_start3A_121 = arith.constant 0 : i32
      %dma_start3A_122 = arith.constant 0 : i32
      %dma_start3A_123 = tpu.memref_slice %arg3[%dma_start3A_121, %dma_start3A_122] : memref<1000000x5xf32, #tpu.memory_space<hbm>> -> memref<1000000x5xf32, #tpu.memory_space<hbm>>
      tpu.enqueue_indirect_dma source(%dma_start3A_123 : memref<1000000x5xf32, #tpu.memory_space<hbm>>) target(%dma_start3A_119 : memref<128x5xf32, #tpu.memory_space<vmem>>) offsets(%dma_start3A_120 : memref<128xi32, #tpu.memory_space<vmem>>) semaphore(%arg44 : memref<!tpu.dma_semaphore, #tpu.memory_space<semaphore_mem>>)
    }
    %scan3A_42 = arith.constant 12 : i32
    %dma_start3A_43 = arith.constant 1536 : i32
    %dma_start3A_44 = arith.constant 0 : i32
    %dma_start3A_45 = tpu.memref_slice %arg28[%dma_start3A_43, %dma_start3A_44] : memref<1600x5xf32, #tpu.memory_space<vmem>> -> memref<64x5xf32, #tpu.memory_space<vmem>>
    %dma_start3A_46 = arith.constant 1536 : i32
    %dma_start3A_47 = tpu.memref_slice %arg25[%dma_start3A_46] : memref<1600xi32, #tpu.memory_space<vmem>> -> memref<64xi32, #tpu.memory_space<vmem>>
    %dma_start3A_48 = arith.constant 0 : i32
    %dma_start3A_49 = arith.constant 0 : i32
    %dma_start3A_50 = tpu.memref_slice %arg3[%dma_start3A_48, %dma_start3A_49] : memref<1000000x5xf32, #tpu.memory_space<hbm>> -> memref<1000000x5xf32, #tpu.memory_space<hbm>>
    tpu.enqueue_indirect_dma source(%dma_start3A_50 : memref<1000000x5xf32, #tpu.memory_space<hbm>>) target(%dma_start3A_45 : memref<64x5xf32, #tpu.memory_space<vmem>>) offsets(%dma_start3A_47 : memref<64xi32, #tpu.memory_space<vmem>>) semaphore(%arg44 : memref<!tpu.dma_semaphore, #tpu.memory_space<semaphore_mem>>)
    %scan3A_51 = arith.constant 0 : i32
    %scan3A_52 = arith.constant 0 : i32
    %scan3A_53 = arith.constant 12 : i32
    %scan3A_54 = arith.addi %scan3A_52, %scan3A_53 : i32
    %scan3A_55 = arith.constant 1 : i32
    scf.for %scan3A_115 = %scan3A_52 to %scan3A_54 step %scan3A_55  : i32 {
      %mul3A_116 = arith.constant 128 : i32
      %mul3A_117 = arith.muli %scan3A_115, %mul3A_116 : i32
      %multiple_of3A = tpu.assume_multiple %mul3A_117, 128 : i32
      %dma_start3A_118 = arith.constant 0 : i32
      %dma_start3A_119 = tpu.memref_slice %arg29[%multiple_of3A, %dma_start3A_118] : memref<1600x10xf32, #tpu.memory_space<vmem>> -> memref<128x10xf32, #tpu.memory_space<vmem>>
      %dma_start3A_120 = tpu.memref_slice %arg26[%multiple_of3A] : memref<1600xi32, #tpu.memory_space<vmem>> -> memref<128xi32, #tpu.memory_space<vmem>>
      %dma_start3A_121 = arith.constant 0 : i32
      %dma_start3A_122 = arith.constant 0 : i32
      %dma_start3A_123 = tpu.memref_slice %arg4[%dma_start3A_121, %dma_start3A_122] : memref<100000x10xf32, #tpu.memory_space<hbm>> -> memref<100000x10xf32, #tpu.memory_space<hbm>>
      tpu.enqueue_indirect_dma source(%dma_start3A_123 : memref<100000x10xf32, #tpu.memory_space<hbm>>) target(%dma_start3A_119 : memref<128x10xf32, #tpu.memory_space<vmem>>) offsets(%dma_start3A_120 : memref<128xi32, #tpu.memory_space<vmem>>) semaphore(%arg44 : memref<!tpu.dma_semaphore, #tpu.memory_space<semaphore_mem>>)
    }
    %scan3A_56 = arith.constant 12 : i32
    %dma_start3A_57 = arith.constant 1536 : i32
    %dma_start3A_58 = arith.constant 0 : i32
    %dma_start3A_59 = tpu.memref_slice %arg29[%dma_start3A_57, %dma_start3A_58] : memref<1600x10xf32, #tpu.memory_space<vmem>> -> memref<64x10xf32, #tpu.memory_space<vmem>>
    %dma_start3A_60 = arith.constant 1536 : i32
    %dma_start3A_61 = tpu.memref_slice %arg26[%dma_start3A_60] : memref<1600xi32, #tpu.memory_space<vmem>> -> memref<64xi32, #tpu.memory_space<vmem>>
    %dma_start3A_62 = arith.constant 0 : i32
    %dma_start3A_63 = arith.constant 0 : i32
    %dma_start3A_64 = tpu.memref_slice %arg4[%dma_start3A_62, %dma_start3A_63] : memref<100000x10xf32, #tpu.memory_space<hbm>> -> memref<100000x10xf32, #tpu.memory_space<hbm>>
    tpu.enqueue_indirect_dma source(%dma_start3A_64 : memref<100000x10xf32, #tpu.memory_space<hbm>>) target(%dma_start3A_59 : memref<64x10xf32, #tpu.memory_space<vmem>>) offsets(%dma_start3A_61 : memref<64xi32, #tpu.memory_space<vmem>>) semaphore(%arg44 : memref<!tpu.dma_semaphore, #tpu.memory_space<semaphore_mem>>)
    %dma_start3A_65 = arith.constant 0 : i32
    %dma_start3A_66 = arith.constant 0 : i32
    %dma_start3A_67 = tpu.memref_slice %arg5[%dma_start3A_65, %dma_start3A_66] : memref<11x10xf32, #tpu.memory_space<hbm>> -> memref<11x10xf32, #tpu.memory_space<hbm>>
    tpu.enqueue_indirect_dma source(%dma_start3A_67 : memref<11x10xf32, #tpu.memory_space<hbm>>) target(%arg37 : memref<32x10xf32, #tpu.memory_space<vmem>>) offsets(%arg30 : memref<32xi32, #tpu.memory_space<vmem>>) semaphore(%arg44 : memref<!tpu.dma_semaphore, #tpu.memory_space<semaphore_mem>>)
    %dma_start3A_68 = arith.constant 0 : i32
    %dma_start3A_69 = arith.constant 0 : i32
    %dma_start3A_70 = tpu.memref_slice %arg6[%dma_start3A_68, %dma_start3A_69] : memref<6x10xf32, #tpu.memory_space<hbm>> -> memref<6x10xf32, #tpu.memory_space<hbm>>
    tpu.enqueue_indirect_dma source(%dma_start3A_70 : memref<6x10xf32, #tpu.memory_space<hbm>>) target(%arg38 : memref<32x10xf32, #tpu.memory_space<vmem>>) offsets(%arg31 : memref<32xi32, #tpu.memory_space<vmem>>) semaphore(%arg44 : memref<!tpu.dma_semaphore, #tpu.memory_space<semaphore_mem>>)
    %dma_start3A_71 = arith.constant 0 : i32
    %dma_start3A_72 = arith.constant 0 : i32
    %dma_start3A_73 = tpu.memref_slice %arg7[%dma_start3A_71, %dma_start3A_72] : memref<10x10xf32, #tpu.memory_space<hbm>> -> memref<10x10xf32, #tpu.memory_space<hbm>>
    tpu.enqueue_indirect_dma source(%dma_start3A_73 : memref<10x10xf32, #tpu.memory_space<hbm>>) target(%arg39 : memref<32x10xf32, #tpu.memory_space<vmem>>) offsets(%arg32 : memref<32xi32, #tpu.memory_space<vmem>>) semaphore(%arg44 : memref<!tpu.dma_semaphore, #tpu.memory_space<semaphore_mem>>)
    %dma_start3A_74 = arith.constant 0 : i32
    %dma_start3A_75 = arith.constant 0 : i32
    %dma_start3A_76 = tpu.memref_slice %arg8[%dma_start3A_74, %dma_start3A_75] : memref<100x10xf32, #tpu.memory_space<hbm>> -> memref<100x10xf32, #tpu.memory_space<hbm>>
    tpu.enqueue_indirect_dma source(%dma_start3A_76 : memref<100x10xf32, #tpu.memory_space<hbm>>) target(%arg40 : memref<32x10xf32, #tpu.memory_space<vmem>>) offsets(%arg33 : memref<32xi32, #tpu.memory_space<vmem>>) semaphore(%arg44 : memref<!tpu.dma_semaphore, #tpu.memory_space<semaphore_mem>>)
    %dma_start3A_77 = arith.constant 0 : i32
    %dma_start3A_78 = arith.constant 0 : i32
    %dma_start3A_79 = tpu.memref_slice %arg9[%dma_start3A_77, %dma_start3A_78] : memref<100x10xf32, #tpu.memory_space<hbm>> -> memref<100x10xf32, #tpu.memory_space<hbm>>
    tpu.enqueue_indirect_dma source(%dma_start3A_79 : memref<100x10xf32, #tpu.memory_space<hbm>>) target(%arg41 : memref<32x10xf32, #tpu.memory_space<vmem>>) offsets(%arg34 : memref<32xi32, #tpu.memory_space<vmem>>) semaphore(%arg44 : memref<!tpu.dma_semaphore, #tpu.memory_space<semaphore_mem>>)
    %dma_start3A_80 = arith.constant 0 : i32
    %dma_start3A_81 = arith.constant 0 : i32
    %dma_start3A_82 = tpu.memref_slice %arg10[%dma_start3A_80, %dma_start3A_81] : memref<1000x10xf32, #tpu.memory_space<hbm>> -> memref<1000x10xf32, #tpu.memory_space<hbm>>
    tpu.enqueue_indirect_dma source(%dma_start3A_82 : memref<1000x10xf32, #tpu.memory_space<hbm>>) target(%arg42 : memref<32x10xf32, #tpu.memory_space<vmem>>) offsets(%arg35 : memref<32xi32, #tpu.memory_space<vmem>>) semaphore(%arg44 : memref<!tpu.dma_semaphore, #tpu.memory_space<semaphore_mem>>)
    %dma_start3A_83 = arith.constant 0 : i32
    %dma_start3A_84 = arith.constant 0 : i32
    %dma_start3A_85 = tpu.memref_slice %arg11[%dma_start3A_83, %dma_start3A_84] : memref<5x30xf32, #tpu.memory_space<hbm>> -> memref<5x30xf32, #tpu.memory_space<hbm>>
    tpu.enqueue_indirect_dma source(%dma_start3A_85 : memref<5x30xf32, #tpu.memory_space<hbm>>) target(%arg43 : memref<32x30xf32, #tpu.memory_space<vmem>>) offsets(%arg36 : memref<32xi32, #tpu.memory_space<vmem>>) semaphore(%arg44 : memref<!tpu.dma_semaphore, #tpu.memory_space<semaphore_mem>>)
    %dma_wait3A = arith.constant 0 : i32
    %dma_wait3A_86 = arith.constant 0 : i32
    %dma_wait3A_87 = tpu.memref_slice %arg2[%dma_wait3A, %dma_wait3A_86] : memref<1000x10xf32, #tpu.memory_space<hbm>> -> memref<1000x10xf32, #tpu.memory_space<hbm>>
    tpu.wait_indirect_dma semaphore(%arg44 : memref<!tpu.dma_semaphore, #tpu.memory_space<semaphore_mem>>) src(%dma_wait3A_87 : memref<1000x10xf32, #tpu.memory_space<hbm>>) dst(%arg27 : memref<1600x10xf32, #tpu.memory_space<vmem>>)
    %dma_wait3A_88 = arith.constant 0 : i32
    %dma_wait3A_89 = arith.constant 0 : i32
    %dma_wait3A_90 = tpu.memref_slice %arg3[%dma_wait3A_88, %dma_wait3A_89] : memref<1000000x5xf32, #tpu.memory_space<hbm>> -> memref<1000000x5xf32, #tpu.memory_space<hbm>>
    tpu.wait_indirect_dma semaphore(%arg44 : memref<!tpu.dma_semaphore, #tpu.memory_space<semaphore_mem>>) src(%dma_wait3A_90 : memref<1000000x5xf32, #tpu.memory_space<hbm>>) dst(%arg28 : memref<1600x5xf32, #tpu.memory_space<vmem>>)
    %dma_wait3A_91 = arith.constant 0 : i32
    %dma_wait3A_92 = arith.constant 0 : i32
    %dma_wait3A_93 = tpu.memref_slice %arg4[%dma_wait3A_91, %dma_wait3A_92] : memref<100000x10xf32, #tpu.memory_space<hbm>> -> memref<100000x10xf32, #tpu.memory_space<hbm>>
    tpu.wait_indirect_dma semaphore(%arg44 : memref<!tpu.dma_semaphore, #tpu.memory_space<semaphore_mem>>) src(%dma_wait3A_93 : memref<100000x10xf32, #tpu.memory_space<hbm>>) dst(%arg29 : memref<1600x10xf32, #tpu.memory_space<vmem>>)
    %dma_wait3A_94 = arith.constant 0 : i32
    %dma_wait3A_95 = arith.constant 0 : i32
    %dma_wait3A_96 = tpu.memref_slice %arg5[%dma_wait3A_94, %dma_wait3A_95] : memref<11x10xf32, #tpu.memory_space<hbm>> -> memref<11x10xf32, #tpu.memory_space<hbm>>
    tpu.wait_indirect_dma semaphore(%arg44 : memref<!tpu.dma_semaphore, #tpu.memory_space<semaphore_mem>>) src(%dma_wait3A_96 : memref<11x10xf32, #tpu.memory_space<hbm>>) dst(%arg37 : memref<32x10xf32, #tpu.memory_space<vmem>>)
    %dma_wait3A_97 = arith.constant 0 : i32
    %dma_wait3A_98 = arith.constant 0 : i32
    %dma_wait3A_99 = tpu.memref_slice %arg6[%dma_wait3A_97, %dma_wait3A_98] : memref<6x10xf32, #tpu.memory_space<hbm>> -> memref<6x10xf32, #tpu.memory_space<hbm>>
    tpu.wait_indirect_dma semaphore(%arg44 : memref<!tpu.dma_semaphore, #tpu.memory_space<semaphore_mem>>) src(%dma_wait3A_99 : memref<6x10xf32, #tpu.memory_space<hbm>>) dst(%arg38 : memref<32x10xf32, #tpu.memory_space<vmem>>)
    %dma_wait3A_100 = arith.constant 0 : i32
    %dma_wait3A_101 = arith.constant 0 : i32
    %dma_wait3A_102 = tpu.memref_slice %arg7[%dma_wait3A_100, %dma_wait3A_101] : memref<10x10xf32, #tpu.memory_space<hbm>> -> memref<10x10xf32, #tpu.memory_space<hbm>>
    tpu.wait_indirect_dma semaphore(%arg44 : memref<!tpu.dma_semaphore, #tpu.memory_space<semaphore_mem>>) src(%dma_wait3A_102 : memref<10x10xf32, #tpu.memory_space<hbm>>) dst(%arg39 : memref<32x10xf32, #tpu.memory_space<vmem>>)
    %dma_wait3A_103 = arith.constant 0 : i32
    %dma_wait3A_104 = arith.constant 0 : i32
    %dma_wait3A_105 = tpu.memref_slice %arg8[%dma_wait3A_103, %dma_wait3A_104] : memref<100x10xf32, #tpu.memory_space<hbm>> -> memref<100x10xf32, #tpu.memory_space<hbm>>
    tpu.wait_indirect_dma semaphore(%arg44 : memref<!tpu.dma_semaphore, #tpu.memory_space<semaphore_mem>>) src(%dma_wait3A_105 : memref<100x10xf32, #tpu.memory_space<hbm>>) dst(%arg40 : memref<32x10xf32, #tpu.memory_space<vmem>>)
    %dma_wait3A_106 = arith.constant 0 : i32
    %dma_wait3A_107 = arith.constant 0 : i32
    %dma_wait3A_108 = tpu.memref_slice %arg9[%dma_wait3A_106, %dma_wait3A_107] : memref<100x10xf32, #tpu.memory_space<hbm>> -> memref<100x10xf32, #tpu.memory_space<hbm>>
    tpu.wait_indirect_dma semaphore(%arg44 : memref<!tpu.dma_semaphore, #tpu.memory_space<semaphore_mem>>) src(%dma_wait3A_108 : memref<100x10xf32, #tpu.memory_space<hbm>>) dst(%arg41 : memref<32x10xf32, #tpu.memory_space<vmem>>)
    %dma_wait3A_109 = arith.constant 0 : i32
    %dma_wait3A_110 = arith.constant 0 : i32
    %dma_wait3A_111 = tpu.memref_slice %arg10[%dma_wait3A_109, %dma_wait3A_110] : memref<1000x10xf32, #tpu.memory_space<hbm>> -> memref<1000x10xf32, #tpu.memory_space<hbm>>
    tpu.wait_indirect_dma semaphore(%arg44 : memref<!tpu.dma_semaphore, #tpu.memory_space<semaphore_mem>>) src(%dma_wait3A_111 : memref<1000x10xf32, #tpu.memory_space<hbm>>) dst(%arg42 : memref<32x10xf32, #tpu.memory_space<vmem>>)
    %dma_wait3A_112 = arith.constant 0 : i32
    %dma_wait3A_113 = arith.constant 0 : i32
    %dma_wait3A_114 = tpu.memref_slice %arg11[%dma_wait3A_112, %dma_wait3A_113] : memref<5x30xf32, #tpu.memory_space<hbm>> -> memref<5x30xf32, #tpu.memory_space<hbm>>
    tpu.wait_indirect_dma semaphore(%arg44 : memref<!tpu.dma_semaphore, #tpu.memory_space<semaphore_mem>>) src(%dma_wait3A_114 : memref<5x30xf32, #tpu.memory_space<hbm>>) dst(%arg43 : memref<32x30xf32, #tpu.memory_space<vmem>>)
    "tpu.region"() ({
      %run_scoped3A = tpu.sem_alloc : memref<!tpu.dma_semaphore, #tpu.memory_space<semaphore_mem>>
      %dma_start3A_115 = arith.constant 0 : i32
      %dma_start3A_116 = tpu.memref_slice %arg14[%mul3A_2, %dma_start3A_115] : memref<51200x10xf32, #tpu.memory_space<hbm>> -> memref<1600x10xf32, #tpu.memory_space<hbm>>
      %dma_start3A_117 = arith.constant 0 : i32
      %dma_start3A_118 = tpu.memref_slice %arg14[%mul3A_2, %dma_start3A_117] : memref<51200x10xf32, #tpu.memory_space<hbm>> -> memref<1600x10xf32, #tpu.memory_space<hbm>>
      tpu.enqueue_dma source(%arg27 : memref<1600x10xf32, #tpu.memory_space<vmem>>) target(%dma_start3A_118 : memref<1600x10xf32, #tpu.memory_space<hbm>>) target_semaphore(%run_scoped3A : memref<!tpu.dma_semaphore, #tpu.memory_space<semaphore_mem>>)
      %dma_wait3A_119 = arith.constant 0 : i32
      %dma_wait3A_120 = tpu.memref_slice %arg14[%mul3A_2, %dma_wait3A_119] : memref<51200x10xf32, #tpu.memory_space<hbm>> -> memref<1600x10xf32, #tpu.memory_space<hbm>>
      %dma_wait3A_121 = arith.constant 0 : i32
      %dma_wait3A_122 = tpu.memref_slice %arg14[%mul3A_2, %dma_wait3A_121] : memref<51200x10xf32, #tpu.memory_space<hbm>> -> memref<1600x10xf32, #tpu.memory_space<hbm>>
      tpu.wait_dma2 semaphore(%run_scoped3A : memref<!tpu.dma_semaphore, #tpu.memory_space<semaphore_mem>>) src(%arg27 : memref<1600x10xf32, #tpu.memory_space<vmem>>) dst(%dma_wait3A_122 : memref<1600x10xf32, #tpu.memory_space<hbm>>)
      tpu.yield
    }) : () -> ()
    "tpu.region"() ({
      %run_scoped3A = tpu.sem_alloc : memref<!tpu.dma_semaphore, #tpu.memory_space<semaphore_mem>>
      %dma_start3A_115 = arith.constant 0 : i32
      %dma_start3A_116 = tpu.memref_slice %arg15[%mul3A_2, %dma_start3A_115] : memref<51200x5xf32, #tpu.memory_space<hbm>> -> memref<1600x5xf32, #tpu.memory_space<hbm>>
      %dma_start3A_117 = arith.constant 0 : i32
      %dma_start3A_118 = tpu.memref_slice %arg15[%mul3A_2, %dma_start3A_117] : memref<51200x5xf32, #tpu.memory_space<hbm>> -> memref<1600x5xf32, #tpu.memory_space<hbm>>
      tpu.enqueue_dma source(%arg28 : memref<1600x5xf32, #tpu.memory_space<vmem>>) target(%dma_start3A_118 : memref<1600x5xf32, #tpu.memory_space<hbm>>) target_semaphore(%run_scoped3A : memref<!tpu.dma_semaphore, #tpu.memory_space<semaphore_mem>>)
      %dma_wait3A_119 = arith.constant 0 : i32
      %dma_wait3A_120 = tpu.memref_slice %arg15[%mul3A_2, %dma_wait3A_119] : memref<51200x5xf32, #tpu.memory_space<hbm>> -> memref<1600x5xf32, #tpu.memory_space<hbm>>
      %dma_wait3A_121 = arith.constant 0 : i32
      %dma_wait3A_122 = tpu.memref_slice %arg15[%mul3A_2, %dma_wait3A_121] : memref<51200x5xf32, #tpu.memory_space<hbm>> -> memref<1600x5xf32, #tpu.memory_space<hbm>>
      tpu.wait_dma2 semaphore(%run_scoped3A : memref<!tpu.dma_semaphore, #tpu.memory_space<semaphore_mem>>) src(%arg28 : memref<1600x5xf32, #tpu.memory_space<vmem>>) dst(%dma_wait3A_122 : memref<1600x5xf32, #tpu.memory_space<hbm>>)
      tpu.yield
    }) : () -> ()
    "tpu.region"() ({
      %run_scoped3A = tpu.sem_alloc : memref<!tpu.dma_semaphore, #tpu.memory_space<semaphore_mem>>
      %dma_start3A_115 = arith.constant 0 : i32
      %dma_start3A_116 = tpu.memref_slice %arg16[%mul3A_2, %dma_start3A_115] : memref<51200x10xf32, #tpu.memory_space<hbm>> -> memref<1600x10xf32, #tpu.memory_space<hbm>>
      %dma_start3A_117 = arith.constant 0 : i32
      %dma_start3A_118 = tpu.memref_slice %arg16[%mul3A_2, %dma_start3A_117] : memref<51200x10xf32, #tpu.memory_space<hbm>> -> memref<1600x10xf32, #tpu.memory_space<hbm>>
      tpu.enqueue_dma source(%arg29 : memref<1600x10xf32, #tpu.memory_space<vmem>>) target(%dma_start3A_118 : memref<1600x10xf32, #tpu.memory_space<hbm>>) target_semaphore(%run_scoped3A : memref<!tpu.dma_semaphore, #tpu.memory_space<semaphore_mem>>)
      %dma_wait3A_119 = arith.constant 0 : i32
      %dma_wait3A_120 = tpu.memref_slice %arg16[%mul3A_2, %dma_wait3A_119] : memref<51200x10xf32, #tpu.memory_space<hbm>> -> memref<1600x10xf32, #tpu.memory_space<hbm>>
      %dma_wait3A_121 = arith.constant 0 : i32
      %dma_wait3A_122 = tpu.memref_slice %arg16[%mul3A_2, %dma_wait3A_121] : memref<51200x10xf32, #tpu.memory_space<hbm>> -> memref<1600x10xf32, #tpu.memory_space<hbm>>
      tpu.wait_dma2 semaphore(%run_scoped3A : memref<!tpu.dma_semaphore, #tpu.memory_space<semaphore_mem>>) src(%arg29 : memref<1600x10xf32, #tpu.memory_space<vmem>>) dst(%dma_wait3A_122 : memref<1600x10xf32, #tpu.memory_space<hbm>>)
      tpu.yield
    }) : () -> ()
    "tpu.region"() ({
      %run_scoped3A = tpu.sem_alloc : memref<!tpu.dma_semaphore, #tpu.memory_space<semaphore_mem>>
      %dma_start3A_115 = arith.constant 0 : i32
      %dma_start3A_116 = tpu.memref_slice %arg17[%mul3A_4, %dma_start3A_115] : memref<1024x10xf32, #tpu.memory_space<hbm>> -> memref<32x10xf32, #tpu.memory_space<hbm>>
      %dma_start3A_117 = arith.constant 0 : i32
      %dma_start3A_118 = tpu.memref_slice %arg17[%mul3A_4, %dma_start3A_117] : memref<1024x10xf32, #tpu.memory_space<hbm>> -> memref<32x10xf32, #tpu.memory_space<hbm>>
      tpu.enqueue_dma source(%arg37 : memref<32x10xf32, #tpu.memory_space<vmem>>) target(%dma_start3A_118 : memref<32x10xf32, #tpu.memory_space<hbm>>) target_semaphore(%run_scoped3A : memref<!tpu.dma_semaphore, #tpu.memory_space<semaphore_mem>>)
      %dma_wait3A_119 = arith.constant 0 : i32
      %dma_wait3A_120 = tpu.memref_slice %arg17[%mul3A_4, %dma_wait3A_119] : memref<1024x10xf32, #tpu.memory_space<hbm>> -> memref<32x10xf32, #tpu.memory_space<hbm>>
      %dma_wait3A_121 = arith.constant 0 : i32
      %dma_wait3A_122 = tpu.memref_slice %arg17[%mul3A_4, %dma_wait3A_121] : memref<1024x10xf32, #tpu.memory_space<hbm>> -> memref<32x10xf32, #tpu.memory_space<hbm>>
      tpu.wait_dma2 semaphore(%run_scoped3A : memref<!tpu.dma_semaphore, #tpu.memory_space<semaphore_mem>>) src(%arg37 : memref<32x10xf32, #tpu.memory_space<vmem>>) dst(%dma_wait3A_122 : memref<32x10xf32, #tpu.memory_space<hbm>>)
      tpu.yield
    }) : () -> ()
    "tpu.region"() ({
      %run_scoped3A = tpu.sem_alloc : memref<!tpu.dma_semaphore, #tpu.memory_space<semaphore_mem>>
      %dma_start3A_115 = arith.constant 0 : i32
      %dma_start3A_116 = tpu.memref_slice %arg18[%mul3A_4, %dma_start3A_115] : memref<1024x10xf32, #tpu.memory_space<hbm>> -> memref<32x10xf32, #tpu.memory_space<hbm>>
      %dma_start3A_117 = arith.constant 0 : i32
      %dma_start3A_118 = tpu.memref_slice %arg18[%mul3A_4, %dma_start3A_117] : memref<1024x10xf32, #tpu.memory_space<hbm>> -> memref<32x10xf32, #tpu.memory_space<hbm>>
      tpu.enqueue_dma source(%arg38 : memref<32x10xf32, #tpu.memory_space<vmem>>) target(%dma_start3A_118 : memref<32x10xf32, #tpu.memory_space<hbm>>) target_semaphore(%run_scoped3A : memref<!tpu.dma_semaphore, #tpu.memory_space<semaphore_mem>>)
      %dma_wait3A_119 = arith.constant 0 : i32
      %dma_wait3A_120 = tpu.memref_slice %arg18[%mul3A_4, %dma_wait3A_119] : memref<1024x10xf32, #tpu.memory_space<hbm>> -> memref<32x10xf32, #tpu.memory_space<hbm>>
      %dma_wait3A_121 = arith.constant 0 : i32
      %dma_wait3A_122 = tpu.memref_slice %arg18[%mul3A_4, %dma_wait3A_121] : memref<1024x10xf32, #tpu.memory_space<hbm>> -> memref<32x10xf32, #tpu.memory_space<hbm>>
      tpu.wait_dma2 semaphore(%run_scoped3A : memref<!tpu.dma_semaphore, #tpu.memory_space<semaphore_mem>>) src(%arg38 : memref<32x10xf32, #tpu.memory_space<vmem>>) dst(%dma_wait3A_122 : memref<32x10xf32, #tpu.memory_space<hbm>>)
      tpu.yield
    }) : () -> ()
    "tpu.region"() ({
      %run_scoped3A = tpu.sem_alloc : memref<!tpu.dma_semaphore, #tpu.memory_space<semaphore_mem>>
      %dma_start3A_115 = arith.constant 0 : i32
      %dma_start3A_116 = tpu.memref_slice %arg19[%mul3A_4, %dma_start3A_115] : memref<1024x10xf32, #tpu.memory_space<hbm>> -> memref<32x10xf32, #tpu.memory_space<hbm>>
      %dma_start3A_117 = arith.constant 0 : i32
      %dma_start3A_118 = tpu.memref_slice %arg19[%mul3A_4, %dma_start3A_117] : memref<1024x10xf32, #tpu.memory_space<hbm>> -> memref<32x10xf32, #tpu.memory_space<hbm>>
      tpu.enqueue_dma source(%arg39 : memref<32x10xf32, #tpu.memory_space<vmem>>) target(%dma_start3A_118 : memref<32x10xf32, #tpu.memory_space<hbm>>) target_semaphore(%run_scoped3A : memref<!tpu.dma_semaphore, #tpu.memory_space<semaphore_mem>>)
      %dma_wait3A_119 = arith.constant 0 : i32
      %dma_wait3A_120 = tpu.memref_slice %arg19[%mul3A_4, %dma_wait3A_119] : memref<1024x10xf32, #tpu.memory_space<hbm>> -> memref<32x10xf32, #tpu.memory_space<hbm>>
      %dma_wait3A_121 = arith.constant 0 : i32
      %dma_wait3A_122 = tpu.memref_slice %arg19[%mul3A_4, %dma_wait3A_121] : memref<1024x10xf32, #tpu.memory_space<hbm>> -> memref<32x10xf32, #tpu.memory_space<hbm>>
      tpu.wait_dma2 semaphore(%run_scoped3A : memref<!tpu.dma_semaphore, #tpu.memory_space<semaphore_mem>>) src(%arg39 : memref<32x10xf32, #tpu.memory_space<vmem>>) dst(%dma_wait3A_122 : memref<32x10xf32, #tpu.memory_space<hbm>>)
      tpu.yield
    }) : () -> ()
    "tpu.region"() ({
      %run_scoped3A = tpu.sem_alloc : memref<!tpu.dma_semaphore, #tpu.memory_space<semaphore_mem>>
      %dma_start3A_115 = arith.constant 0 : i32
      %dma_start3A_116 = tpu.memref_slice %arg20[%mul3A_4, %dma_start3A_115] : memref<1024x10xf32, #tpu.memory_space<hbm>> -> memref<32x10xf32, #tpu.memory_space<hbm>>
      %dma_start3A_117 = arith.constant 0 : i32
      %dma_start3A_118 = tpu.memref_slice %arg20[%mul3A_4, %dma_start3A_117] : memref<1024x10xf32, #tpu.memory_space<hbm>> -> memref<32x10xf32, #tpu.memory_space<hbm>>
      tpu.enqueue_dma source(%arg40 : memref<32x10xf32, #tpu.memory_space<vmem>>) target(%dma_start3A_118 : memref<32x10xf32, #tpu.memory_space<hbm>>) target_semaphore(%run_scoped3A : memref<!tpu.dma_semaphore, #tpu.memory_space<semaphore_mem>>)
      %dma_wait3A_119 = arith.constant 0 : i32
      %dma_wait3A_120 = tpu.memref_slice %arg20[%mul3A_4, %dma_wait3A_119] : memref<1024x10xf32, #tpu.memory_space<hbm>> -> memref<32x10xf32, #tpu.memory_space<hbm>>
      %dma_wait3A_121 = arith.constant 0 : i32
      %dma_wait3A_122 = tpu.memref_slice %arg20[%mul3A_4, %dma_wait3A_121] : memref<1024x10xf32, #tpu.memory_space<hbm>> -> memref<32x10xf32, #tpu.memory_space<hbm>>
      tpu.wait_dma2 semaphore(%run_scoped3A : memref<!tpu.dma_semaphore, #tpu.memory_space<semaphore_mem>>) src(%arg40 : memref<32x10xf32, #tpu.memory_space<vmem>>) dst(%dma_wait3A_122 : memref<32x10xf32, #tpu.memory_space<hbm>>)
      tpu.yield
    }) : () -> ()
    "tpu.region"() ({
      %run_scoped3A = tpu.sem_alloc : memref<!tpu.dma_semaphore, #tpu.memory_space<semaphore_mem>>
      %dma_start3A_115 = arith.constant 0 : i32
      %dma_start3A_116 = tpu.memref_slice %arg21[%mul3A_4, %dma_start3A_115] : memref<1024x10xf32, #tpu.memory_space<hbm>> -> memref<32x10xf32, #tpu.memory_space<hbm>>
      %dma_start3A_117 = arith.constant 0 : i32
      %dma_start3A_118 = tpu.memref_slice %arg21[%mul3A_4, %dma_start3A_117] : memref<1024x10xf32, #tpu.memory_space<hbm>> -> memref<32x10xf32, #tpu.memory_space<hbm>>
      tpu.enqueue_dma source(%arg41 : memref<32x10xf32, #tpu.memory_space<vmem>>) target(%dma_start3A_118 : memref<32x10xf32, #tpu.memory_space<hbm>>) target_semaphore(%run_scoped3A : memref<!tpu.dma_semaphore, #tpu.memory_space<semaphore_mem>>)
      %dma_wait3A_119 = arith.constant 0 : i32
      %dma_wait3A_120 = tpu.memref_slice %arg21[%mul3A_4, %dma_wait3A_119] : memref<1024x10xf32, #tpu.memory_space<hbm>> -> memref<32x10xf32, #tpu.memory_space<hbm>>
      %dma_wait3A_121 = arith.constant 0 : i32
      %dma_wait3A_122 = tpu.memref_slice %arg21[%mul3A_4, %dma_wait3A_121] : memref<1024x10xf32, #tpu.memory_space<hbm>> -> memref<32x10xf32, #tpu.memory_space<hbm>>
      tpu.wait_dma2 semaphore(%run_scoped3A : memref<!tpu.dma_semaphore, #tpu.memory_space<semaphore_mem>>) src(%arg41 : memref<32x10xf32, #tpu.memory_space<vmem>>) dst(%dma_wait3A_122 : memref<32x10xf32, #tpu.memory_space<hbm>>)
      tpu.yield
    }) : () -> ()
    "tpu.region"() ({
      %run_scoped3A = tpu.sem_alloc : memref<!tpu.dma_semaphore, #tpu.memory_space<semaphore_mem>>
      %dma_start3A_115 = arith.constant 0 : i32
      %dma_start3A_116 = tpu.memref_slice %arg22[%mul3A_4, %dma_start3A_115] : memref<1024x10xf32, #tpu.memory_space<hbm>> -> memref<32x10xf32, #tpu.memory_space<hbm>>
      %dma_start3A_117 = arith.constant 0 : i32
      %dma_start3A_118 = tpu.memref_slice %arg22[%mul3A_4, %dma_start3A_117] : memref<1024x10xf32, #tpu.memory_space<hbm>> -> memref<32x10xf32, #tpu.memory_space<hbm>>
      tpu.enqueue_dma source(%arg42 : memref<32x10xf32, #tpu.memory_space<vmem>>) target(%dma_start3A_118 : memref<32x10xf32, #tpu.memory_space<hbm>>) target_semaphore(%run_scoped3A : memref<!tpu.dma_semaphore, #tpu.memory_space<semaphore_mem>>)
      %dma_wait3A_119 = arith.constant 0 : i32
      %dma_wait3A_120 = tpu.memref_slice %arg22[%mul3A_4, %dma_wait3A_119] : memref<1024x10xf32, #tpu.memory_space<hbm>> -> memref<32x10xf32, #tpu.memory_space<hbm>>
      %dma_wait3A_121 = arith.constant 0 : i32
      %dma_wait3A_122 = tpu.memref_slice %arg22[%mul3A_4, %dma_wait3A_121] : memref<1024x10xf32, #tpu.memory_space<hbm>> -> memref<32x10xf32, #tpu.memory_space<hbm>>
      tpu.wait_dma2 semaphore(%run_scoped3A : memref<!tpu.dma_semaphore, #tpu.memory_space<semaphore_mem>>) src(%arg42 : memref<32x10xf32, #tpu.memory_space<vmem>>) dst(%dma_wait3A_122 : memref<32x10xf32, #tpu.memory_space<hbm>>)
      tpu.yield
    }) : () -> ()
    "tpu.region"() ({
      %run_scoped3A = tpu.sem_alloc : memref<!tpu.dma_semaphore, #tpu.memory_space<semaphore_mem>>
      %dma_start3A_115 = arith.constant 0 : i32
      %dma_start3A_116 = tpu.memref_slice %arg23[%mul3A_4, %dma_start3A_115] : memref<1024x30xf32, #tpu.memory_space<hbm>> -> memref<32x30xf32, #tpu.memory_space<hbm>>
      %dma_start3A_117 = arith.constant 0 : i32
      %dma_start3A_118 = tpu.memref_slice %arg23[%mul3A_4, %dma_start3A_117] : memref<1024x30xf32, #tpu.memory_space<hbm>> -> memref<32x30xf32, #tpu.memory_space<hbm>>
      tpu.enqueue_dma source(%arg43 : memref<32x30xf32, #tpu.memory_space<vmem>>) target(%dma_start3A_118 : memref<32x30xf32, #tpu.memory_space<hbm>>) target_semaphore(%run_scoped3A : memref<!tpu.dma_semaphore, #tpu.memory_space<semaphore_mem>>)
      %dma_wait3A_119 = arith.constant 0 : i32
      %dma_wait3A_120 = tpu.memref_slice %arg23[%mul3A_4, %dma_wait3A_119] : memref<1024x30xf32, #tpu.memory_space<hbm>> -> memref<32x30xf32, #tpu.memory_space<hbm>>
      %dma_wait3A_121 = arith.constant 0 : i32
      %dma_wait3A_122 = tpu.memref_slice %arg23[%mul3A_4, %dma_wait3A_121] : memref<1024x30xf32, #tpu.memory_space<hbm>> -> memref<32x30xf32, #tpu.memory_space<hbm>>
      tpu.wait_dma2 semaphore(%run_scoped3A : memref<!tpu.dma_semaphore, #tpu.memory_space<semaphore_mem>>) src(%arg43 : memref<32x30xf32, #tpu.memory_space<vmem>>) dst(%dma_wait3A_122 : memref<32x30xf32, #tpu.memory_space<hbm>>)
      tpu.yield
    }) : () -> ()
    return
  }
}

module attributes {stable_mosaic.version = 14 : i64} {
  func.func @_tc_body(%arg0: i32, %arg1: memref<32x50xi32, #tpu.memory_space<vmem>>, %arg2: memref<32x50xi32, #tpu.memory_space<vmem>>, %arg3: memref<32x15xf32, #tpu.memory_space<vmem>>, %arg4: memref<32x7xi32, #tpu.memory_space<vmem>>, %arg5: memref<1600x25xf32, #tpu.memory_space<vmem>>, %arg6: memref<1600x20xf32, #tpu.memory_space<vmem>>, %arg7: memref<1600x7xi32, #tpu.memory_space<vmem>>, %arg8: memref<3x10xf32, #tpu.memory_space<vmem>>, %arg9: memref<4x10xf32, #tpu.memory_space<vmem>>, %arg10: memref<3x10xf32, #tpu.memory_space<vmem>>, %arg11: memref<4x10xf32, #tpu.memory_space<vmem>>, %arg12: memref<1600x10xf32, #tpu.memory_space<vmem>>, %arg13: memref<1600x5xf32, #tpu.memory_space<vmem>>, %arg14: memref<1600x10xf32, #tpu.memory_space<vmem>>, %arg15: memref<32x10xf32, #tpu.memory_space<vmem>>, %arg16: memref<32x10xf32, #tpu.memory_space<vmem>>, %arg17: memref<32x10xf32, #tpu.memory_space<vmem>>, %arg18: memref<32x10xf32, #tpu.memory_space<vmem>>, %arg19: memref<32x10xf32, #tpu.memory_space<vmem>>, %arg20: memref<32x10xf32, #tpu.memory_space<vmem>>, %arg21: memref<32x30xf32, #tpu.memory_space<vmem>>, %arg22: memref<15x64xf32, #tpu.memory_space<vmem>>, %arg23: memref<1x64xf32, #tpu.memory_space<vmem>>, %arg24: memref<25x64xf32, #tpu.memory_space<vmem>>, %arg25: memref<1x64xf32, #tpu.memory_space<vmem>>, %arg26: memref<20x128xf32, #tpu.memory_space<vmem>>, %arg27: memref<1x128xf32, #tpu.memory_space<vmem>>, %arg28: memref<10x64xf32, #tpu.memory_space<vmem>>, %arg29: memref<10x64xf32, #tpu.memory_space<vmem>>, %arg30: memref<10x64xf32, #tpu.memory_space<vmem>>, %arg31: memref<10x64xf32, #tpu.memory_space<vmem>>, %arg32: memref<10x64xf32, #tpu.memory_space<vmem>>, %arg33: memref<10x64xf32, #tpu.memory_space<vmem>>, %arg34: memref<30x64xf32, #tpu.memory_space<vmem>>, %arg35: memref<1x64xf32, #tpu.memory_space<vmem>>, %arg36: memref<10x64xf32, #tpu.memory_space<vmem>>, %arg37: memref<10x64xf32, #tpu.memory_space<vmem>>, %arg38: memref<10x64xf32, #tpu.memory_space<vmem>>, %arg39: memref<10x64xf32, #tpu.memory_space<vmem>>, %arg40: memref<10x64xf32, #tpu.memory_space<vmem>>, %arg41: memref<5x64xf32, #tpu.memory_space<vmem>>, %arg42: memref<10x64xf32, #tpu.memory_space<vmem>>, %arg43: memref<1x64xf32, #tpu.memory_space<vmem>>, %arg44: memref<64x128xf32, #tpu.memory_space<vmem>>, %arg45: memref<64x128xf32, #tpu.memory_space<vmem>>, %arg46: memref<128x128xf32, #tpu.memory_space<vmem>>, %arg47: memref<1x128xf32, #tpu.memory_space<vmem>>, %arg48: memref<1x128xf32, #tpu.memory_space<vmem>>, %arg49: memref<1x1xf32, #tpu.memory_space<vmem>>, %arg50: memref<1x1xf32, #tpu.memory_space<vmem>>) attributes {dimension_semantics = [#tpu.dimension_semantics<arbitrary>], iteration_bounds = array<i64: 32>, scalar_prefetch = 0 : i64, scratch_operands = 0 : i64, tpu.core_type = #tpu.core_type<tc>, window_params = [{transform_indices = @transform_0, window_bounds = array<i64: 32, 50>}, {transform_indices = @transform_1, window_bounds = array<i64: 32, 50>}, {transform_indices = @transform_2, window_bounds = array<i64: 32, 15>}, {transform_indices = @transform_3, window_bounds = array<i64: 32, 7>}, {transform_indices = @transform_4, window_bounds = array<i64: 1600, 25>}, {transform_indices = @transform_5, window_bounds = array<i64: 1600, 20>}, {transform_indices = @transform_6, window_bounds = array<i64: 1600, 7>}, {pipeline_mode = #tpu.pipeline_mode<synchronous>, transform_indices = @transform_7, window_bounds = array<i64: 3, 10>}, {pipeline_mode = #tpu.pipeline_mode<synchronous>, transform_indices = @transform_8, window_bounds = array<i64: 4, 10>}, {pipeline_mode = #tpu.pipeline_mode<synchronous>, transform_indices = @transform_9, window_bounds = array<i64: 3, 10>}, {pipeline_mode = #tpu.pipeline_mode<synchronous>, transform_indices = @transform_10, window_bounds = array<i64: 4, 10>}, {transform_indices = @transform_11, window_bounds = array<i64: 1600, 10>}, {transform_indices = @transform_12, window_bounds = array<i64: 1600, 5>}, {transform_indices = @transform_13, window_bounds = array<i64: 1600, 10>}, {transform_indices = @transform_14, window_bounds = array<i64: 32, 10>}, {transform_indices = @transform_15, window_bounds = array<i64: 32, 10>}, {transform_indices = @transform_16, window_bounds = array<i64: 32, 10>}, {transform_indices = @transform_17, window_bounds = array<i64: 32, 10>}, {transform_indices = @transform_18, window_bounds = array<i64: 32, 10>}, {transform_indices = @transform_19, window_bounds = array<i64: 32, 10>}, {transform_indices = @transform_20, window_bounds = array<i64: 32, 30>}, {pipeline_mode = #tpu.pipeline_mode<synchronous>, transform_indices = @transform_21, window_bounds = array<i64: 15, 64>}, {pipeline_mode = #tpu.pipeline_mode<synchronous>, transform_indices = @transform_22, window_bounds = array<i64: 1, 64>}, {pipeline_mode = #tpu.pipeline_mode<synchronous>, transform_indices = @transform_23, window_bounds = array<i64: 25, 64>}, {pipeline_mode = #tpu.pipeline_mode<synchronous>, transform_indices = @transform_24, window_bounds = array<i64: 1, 64>}, {pipeline_mode = #tpu.pipeline_mode<synchronous>, transform_indices = @transform_25, window_bounds = array<i64: 20, 128>}, {pipeline_mode = #tpu.pipeline_mode<synchronous>, transform_indices = @transform_26, window_bounds = array<i64: 1, 128>}, {pipeline_mode = #tpu.pipeline_mode<synchronous>, transform_indices = @transform_27, window_bounds = array<i64: 10, 64>}, {pipeline_mode = #tpu.pipeline_mode<synchronous>, transform_indices = @transform_28, window_bounds = array<i64: 10, 64>}, {pipeline_mode = #tpu.pipeline_mode<synchronous>, transform_indices = @transform_29, window_bounds = array<i64: 10, 64>}, {pipeline_mode = #tpu.pipeline_mode<synchronous>, transform_indices = @transform_30, window_bounds = array<i64: 10, 64>}, {pipeline_mode = #tpu.pipeline_mode<synchronous>, transform_indices = @transform_31, window_bounds = array<i64: 10, 64>}, {pipeline_mode = #tpu.pipeline_mode<synchronous>, transform_indices = @transform_32, window_bounds = array<i64: 10, 64>}, {pipeline_mode = #tpu.pipeline_mode<synchronous>, transform_indices = @transform_33, window_bounds = array<i64: 30, 64>}, {pipeline_mode = #tpu.pipeline_mode<synchronous>, transform_indices = @transform_34, window_bounds = array<i64: 1, 64>}, {pipeline_mode = #tpu.pipeline_mode<synchronous>, transform_indices = @transform_35, window_bounds = array<i64: 10, 64>}, {pipeline_mode = #tpu.pipeline_mode<synchronous>, transform_indices = @transform_36, window_bounds = array<i64: 10, 64>}, {pipeline_mode = #tpu.pipeline_mode<synchronous>, transform_indices = @transform_37, window_bounds = array<i64: 10, 64>}, {pipeline_mode = #tpu.pipeline_mode<synchronous>, transform_indices = @transform_38, window_bounds = array<i64: 10, 64>}, {pipeline_mode = #tpu.pipeline_mode<synchronous>, transform_indices = @transform_39, window_bounds = array<i64: 10, 64>}, {pipeline_mode = #tpu.pipeline_mode<synchronous>, transform_indices = @transform_40, window_bounds = array<i64: 5, 64>}, {pipeline_mode = #tpu.pipeline_mode<synchronous>, transform_indices = @transform_41, window_bounds = array<i64: 10, 64>}, {pipeline_mode = #tpu.pipeline_mode<synchronous>, transform_indices = @transform_42, window_bounds = array<i64: 1, 64>}, {pipeline_mode = #tpu.pipeline_mode<synchronous>, transform_indices = @transform_43, window_bounds = array<i64: 64, 128>}, {pipeline_mode = #tpu.pipeline_mode<synchronous>, transform_indices = @transform_44, window_bounds = array<i64: 64, 128>}, {pipeline_mode = #tpu.pipeline_mode<synchronous>, transform_indices = @transform_45, window_bounds = array<i64: 128, 128>}, {pipeline_mode = #tpu.pipeline_mode<synchronous>, transform_indices = @transform_46, window_bounds = array<i64: 1, 128>}, {pipeline_mode = #tpu.pipeline_mode<synchronous>, transform_indices = @transform_47, window_bounds = array<i64: 1, 128>}, {pipeline_mode = #tpu.pipeline_mode<synchronous>, transform_indices = @transform_48, window_bounds = array<i64: 1, 1>}, {pipeline_mode = #tpu.pipeline_mode<synchronous>, transform_indices = @transform_49, window_bounds = array<i64: 1, 1>}]} {
    %get3A = arith.constant 0 : index
    %get3A_0 = arith.constant 0 : index
    %get3A_1 = vector.load %arg4[%get3A, %get3A_0] : memref<32x7xi32, #tpu.memory_space<vmem>>, vector<32x7xi32>
    %get3A_2 = arith.constant 0 : index
    %get3A_3 = arith.constant 0 : index
    %get3A_4 = vector.load %arg35[%get3A_2, %get3A_3] : memref<1x64xf32, #tpu.memory_space<vmem>>, vector<1x64xf32>
    %slice3A = vector.extract_strided_slice %get3A_1 {offsets = [0, 0], sizes = [32, 1], strides = [1, 1]} : vector<32x7xi32> to vector<32x1xi32>
    %ne3A = arith.constant 0 : i32
    %ne3A_5 = vector.broadcast %ne3A : i32 to vector<32x1xi32>
    %ne3A_6 = arith.cmpi ne, %slice3A, %ne3A_5 : vector<32x1xi32>
    %convert_element_type3A = arith.extui %ne3A_6 : vector<32x1xi1> to vector<32x1xi32>
    %convert_element_type3A_7 = arith.sitofp %convert_element_type3A : vector<32x1xi32> to vector<32x1xf32>
    %get3A_8 = arith.constant 0 : index
    %get3A_9 = arith.constant 0 : index
    %get3A_10 = vector.load %arg15[%get3A_8, %get3A_9] : memref<32x10xf32, #tpu.memory_space<vmem>>, vector<32x10xf32>
    %get3A_11 = arith.constant 0 : index
    %get3A_12 = arith.constant 0 : index
    %get3A_13 = vector.load %arg28[%get3A_11, %get3A_12] : memref<10x64xf32, #tpu.memory_space<vmem>>, vector<10x64xf32>
    %dot_general3A = arith.constant dense<0.000000e+00> : vector<32x64xf32>
    %dot_general3A_14 = tpu.matmul %get3A_10, %get3A_13, %dot_general3A {dimension_numbers = #tpu.dot_dimension_numbers<[1], [0], [0], [1], [0, 0, 1, 1], [], []>, transpose_lhs_hint = false} : vector<32x10xf32>, vector<10x64xf32>, vector<32x64xf32> -> vector<32x64xf32>
    %mul3A = vector.broadcast %convert_element_type3A_7 : vector<32x1xf32> to vector<32x64xf32>
    %mul3A_15 = arith.mulf %mul3A, %dot_general3A_14 : vector<32x64xf32>
    %add3A = vector.broadcast %get3A_4 : vector<1x64xf32> to vector<32x64xf32>
    %add3A_16 = arith.addf %add3A, %mul3A_15 : vector<32x64xf32>
    %slice3A_17 = vector.extract_strided_slice %get3A_1 {offsets = [0, 1], sizes = [32, 1], strides = [1, 1]} : vector<32x7xi32> to vector<32x1xi32>
    %ne3A_18 = arith.constant 0 : i32
    %ne3A_19 = vector.broadcast %ne3A_18 : i32 to vector<32x1xi32>
    %ne3A_20 = arith.cmpi ne, %slice3A_17, %ne3A_19 : vector<32x1xi32>
    %convert_element_type3A_21 = arith.extui %ne3A_20 : vector<32x1xi1> to vector<32x1xi32>
    %convert_element_type3A_22 = arith.sitofp %convert_element_type3A_21 : vector<32x1xi32> to vector<32x1xf32>
    %get3A_23 = arith.constant 0 : index
    %get3A_24 = arith.constant 0 : index
    %get3A_25 = vector.load %arg16[%get3A_23, %get3A_24] : memref<32x10xf32, #tpu.memory_space<vmem>>, vector<32x10xf32>
    %get3A_26 = arith.constant 0 : index
    %get3A_27 = arith.constant 0 : index
    %get3A_28 = vector.load %arg29[%get3A_26, %get3A_27] : memref<10x64xf32, #tpu.memory_space<vmem>>, vector<10x64xf32>
    %dot_general3A_29 = arith.constant dense<0.000000e+00> : vector<32x64xf32>
    %dot_general3A_30 = tpu.matmul %get3A_25, %get3A_28, %dot_general3A_29 {dimension_numbers = #tpu.dot_dimension_numbers<[1], [0], [0], [1], [0, 0, 1, 1], [], []>, transpose_lhs_hint = false} : vector<32x10xf32>, vector<10x64xf32>, vector<32x64xf32> -> vector<32x64xf32>
    %mul3A_31 = vector.broadcast %convert_element_type3A_22 : vector<32x1xf32> to vector<32x64xf32>
    %mul3A_32 = arith.mulf %mul3A_31, %dot_general3A_30 : vector<32x64xf32>
    %add3A_33 = arith.addf %add3A_16, %mul3A_32 : vector<32x64xf32>
    %slice3A_34 = vector.extract_strided_slice %get3A_1 {offsets = [0, 2], sizes = [32, 1], strides = [1, 1]} : vector<32x7xi32> to vector<32x1xi32>
    %ne3A_35 = arith.constant 0 : i32
    %ne3A_36 = vector.broadcast %ne3A_35 : i32 to vector<32x1xi32>
    %ne3A_37 = arith.cmpi ne, %slice3A_34, %ne3A_36 : vector<32x1xi32>
    %convert_element_type3A_38 = arith.extui %ne3A_37 : vector<32x1xi1> to vector<32x1xi32>
    %convert_element_type3A_39 = arith.sitofp %convert_element_type3A_38 : vector<32x1xi32> to vector<32x1xf32>
    %get3A_40 = arith.constant 0 : index
    %get3A_41 = arith.constant 0 : index
    %get3A_42 = vector.load %arg17[%get3A_40, %get3A_41] : memref<32x10xf32, #tpu.memory_space<vmem>>, vector<32x10xf32>
    %get3A_43 = arith.constant 0 : index
    %get3A_44 = arith.constant 0 : index
    %get3A_45 = vector.load %arg30[%get3A_43, %get3A_44] : memref<10x64xf32, #tpu.memory_space<vmem>>, vector<10x64xf32>
    %dot_general3A_46 = arith.constant dense<0.000000e+00> : vector<32x64xf32>
    %dot_general3A_47 = tpu.matmul %get3A_42, %get3A_45, %dot_general3A_46 {dimension_numbers = #tpu.dot_dimension_numbers<[1], [0], [0], [1], [0, 0, 1, 1], [], []>, transpose_lhs_hint = false} : vector<32x10xf32>, vector<10x64xf32>, vector<32x64xf32> -> vector<32x64xf32>
    %mul3A_48 = vector.broadcast %convert_element_type3A_39 : vector<32x1xf32> to vector<32x64xf32>
    %mul3A_49 = arith.mulf %mul3A_48, %dot_general3A_47 : vector<32x64xf32>
    %add3A_50 = arith.addf %add3A_33, %mul3A_49 : vector<32x64xf32>
    %slice3A_51 = vector.extract_strided_slice %get3A_1 {offsets = [0, 3], sizes = [32, 1], strides = [1, 1]} : vector<32x7xi32> to vector<32x1xi32>
    %ne3A_52 = arith.constant 0 : i32
    %ne3A_53 = vector.broadcast %ne3A_52 : i32 to vector<32x1xi32>
    %ne3A_54 = arith.cmpi ne, %slice3A_51, %ne3A_53 : vector<32x1xi32>
    %convert_element_type3A_55 = arith.extui %ne3A_54 : vector<32x1xi1> to vector<32x1xi32>
    %convert_element_type3A_56 = arith.sitofp %convert_element_type3A_55 : vector<32x1xi32> to vector<32x1xf32>
    %get3A_57 = arith.constant 0 : index
    %get3A_58 = arith.constant 0 : index
    %get3A_59 = vector.load %arg18[%get3A_57, %get3A_58] : memref<32x10xf32, #tpu.memory_space<vmem>>, vector<32x10xf32>
    %get3A_60 = arith.constant 0 : index
    %get3A_61 = arith.constant 0 : index
    %get3A_62 = vector.load %arg31[%get3A_60, %get3A_61] : memref<10x64xf32, #tpu.memory_space<vmem>>, vector<10x64xf32>
    %dot_general3A_63 = arith.constant dense<0.000000e+00> : vector<32x64xf32>
    %dot_general3A_64 = tpu.matmul %get3A_59, %get3A_62, %dot_general3A_63 {dimension_numbers = #tpu.dot_dimension_numbers<[1], [0], [0], [1], [0, 0, 1, 1], [], []>, transpose_lhs_hint = false} : vector<32x10xf32>, vector<10x64xf32>, vector<32x64xf32> -> vector<32x64xf32>
    %mul3A_65 = vector.broadcast %convert_element_type3A_56 : vector<32x1xf32> to vector<32x64xf32>
    %mul3A_66 = arith.mulf %mul3A_65, %dot_general3A_64 : vector<32x64xf32>
    %add3A_67 = arith.addf %add3A_50, %mul3A_66 : vector<32x64xf32>
    %slice3A_68 = vector.extract_strided_slice %get3A_1 {offsets = [0, 4], sizes = [32, 1], strides = [1, 1]} : vector<32x7xi32> to vector<32x1xi32>
    %ne3A_69 = arith.constant 0 : i32
    %ne3A_70 = vector.broadcast %ne3A_69 : i32 to vector<32x1xi32>
    %ne3A_71 = arith.cmpi ne, %slice3A_68, %ne3A_70 : vector<32x1xi32>
    %convert_element_type3A_72 = arith.extui %ne3A_71 : vector<32x1xi1> to vector<32x1xi32>
    %convert_element_type3A_73 = arith.sitofp %convert_element_type3A_72 : vector<32x1xi32> to vector<32x1xf32>
    %get3A_74 = arith.constant 0 : index
    %get3A_75 = arith.constant 0 : index
    %get3A_76 = vector.load %arg19[%get3A_74, %get3A_75] : memref<32x10xf32, #tpu.memory_space<vmem>>, vector<32x10xf32>
    %get3A_77 = arith.constant 0 : index
    %get3A_78 = arith.constant 0 : index
    %get3A_79 = vector.load %arg32[%get3A_77, %get3A_78] : memref<10x64xf32, #tpu.memory_space<vmem>>, vector<10x64xf32>
    %dot_general3A_80 = arith.constant dense<0.000000e+00> : vector<32x64xf32>
    %dot_general3A_81 = tpu.matmul %get3A_76, %get3A_79, %dot_general3A_80 {dimension_numbers = #tpu.dot_dimension_numbers<[1], [0], [0], [1], [0, 0, 1, 1], [], []>, transpose_lhs_hint = false} : vector<32x10xf32>, vector<10x64xf32>, vector<32x64xf32> -> vector<32x64xf32>
    %mul3A_82 = vector.broadcast %convert_element_type3A_73 : vector<32x1xf32> to vector<32x64xf32>
    %mul3A_83 = arith.mulf %mul3A_82, %dot_general3A_81 : vector<32x64xf32>
    %add3A_84 = arith.addf %add3A_67, %mul3A_83 : vector<32x64xf32>
    %slice3A_85 = vector.extract_strided_slice %get3A_1 {offsets = [0, 5], sizes = [32, 1], strides = [1, 1]} : vector<32x7xi32> to vector<32x1xi32>
    %ne3A_86 = arith.constant 0 : i32
    %ne3A_87 = vector.broadcast %ne3A_86 : i32 to vector<32x1xi32>
    %ne3A_88 = arith.cmpi ne, %slice3A_85, %ne3A_87 : vector<32x1xi32>
    %convert_element_type3A_89 = arith.extui %ne3A_88 : vector<32x1xi1> to vector<32x1xi32>
    %convert_element_type3A_90 = arith.sitofp %convert_element_type3A_89 : vector<32x1xi32> to vector<32x1xf32>
    %get3A_91 = arith.constant 0 : index
    %get3A_92 = arith.constant 0 : index
    %get3A_93 = vector.load %arg20[%get3A_91, %get3A_92] : memref<32x10xf32, #tpu.memory_space<vmem>>, vector<32x10xf32>
    %get3A_94 = arith.constant 0 : index
    %get3A_95 = arith.constant 0 : index
    %get3A_96 = vector.load %arg33[%get3A_94, %get3A_95] : memref<10x64xf32, #tpu.memory_space<vmem>>, vector<10x64xf32>
    %dot_general3A_97 = arith.constant dense<0.000000e+00> : vector<32x64xf32>
    %dot_general3A_98 = tpu.matmul %get3A_93, %get3A_96, %dot_general3A_97 {dimension_numbers = #tpu.dot_dimension_numbers<[1], [0], [0], [1], [0, 0, 1, 1], [], []>, transpose_lhs_hint = false} : vector<32x10xf32>, vector<10x64xf32>, vector<32x64xf32> -> vector<32x64xf32>
    %mul3A_99 = vector.broadcast %convert_element_type3A_90 : vector<32x1xf32> to vector<32x64xf32>
    %mul3A_100 = arith.mulf %mul3A_99, %dot_general3A_98 : vector<32x64xf32>
    %add3A_101 = arith.addf %add3A_84, %mul3A_100 : vector<32x64xf32>
    %slice3A_102 = vector.extract_strided_slice %get3A_1 {offsets = [0, 6], sizes = [32, 1], strides = [1, 1]} : vector<32x7xi32> to vector<32x1xi32>
    %ne3A_103 = arith.constant 0 : i32
    %ne3A_104 = vector.broadcast %ne3A_103 : i32 to vector<32x1xi32>
    %ne3A_105 = arith.cmpi ne, %slice3A_102, %ne3A_104 : vector<32x1xi32>
    %convert_element_type3A_106 = arith.extui %ne3A_105 : vector<32x1xi1> to vector<32x1xi32>
    %convert_element_type3A_107 = arith.sitofp %convert_element_type3A_106 : vector<32x1xi32> to vector<32x1xf32>
    %get3A_108 = arith.constant 0 : index
    %get3A_109 = arith.constant 0 : index
    %get3A_110 = vector.load %arg21[%get3A_108, %get3A_109] : memref<32x30xf32, #tpu.memory_space<vmem>>, vector<32x30xf32>
    %get3A_111 = arith.constant 0 : index
    %get3A_112 = arith.constant 0 : index
    %get3A_113 = vector.load %arg34[%get3A_111, %get3A_112] : memref<30x64xf32, #tpu.memory_space<vmem>>, vector<30x64xf32>
    %dot_general3A_114 = arith.constant dense<0.000000e+00> : vector<32x64xf32>
    %dot_general3A_115 = tpu.matmul %get3A_110, %get3A_113, %dot_general3A_114 {dimension_numbers = #tpu.dot_dimension_numbers<[1], [0], [0], [1], [0, 0, 1, 1], [], []>, transpose_lhs_hint = false} : vector<32x30xf32>, vector<30x64xf32>, vector<32x64xf32> -> vector<32x64xf32>
    %mul3A_116 = vector.broadcast %convert_element_type3A_107 : vector<32x1xf32> to vector<32x64xf32>
    %mul3A_117 = arith.mulf %mul3A_116, %dot_general3A_115 : vector<32x64xf32>
    %add3A_118 = arith.addf %add3A_101, %mul3A_117 : vector<32x64xf32>
    %tanh3A = math.tanh %add3A_118 : vector<32x64xf32>
    %get3A_119 = arith.constant 0 : index
    %get3A_120 = arith.constant 0 : index
    %get3A_121 = vector.load %arg3[%get3A_119, %get3A_120] : memref<32x15xf32, #tpu.memory_space<vmem>>, vector<32x15xf32>
    %get3A_122 = arith.constant 0 : index
    %get3A_123 = arith.constant 0 : index
    %get3A_124 = vector.load %arg22[%get3A_122, %get3A_123] : memref<15x64xf32, #tpu.memory_space<vmem>>, vector<15x64xf32>
    %dot_general3A_125 = arith.constant dense<0.000000e+00> : vector<32x64xf32>
    %dot_general3A_126 = tpu.matmul %get3A_121, %get3A_124, %dot_general3A_125 {dimension_numbers = #tpu.dot_dimension_numbers<[1], [0], [0], [1], [0, 0, 1, 1], [], []>, transpose_lhs_hint = false} : vector<32x15xf32>, vector<15x64xf32>, vector<32x64xf32> -> vector<32x64xf32>
    %get3A_127 = arith.constant 0 : index
    %get3A_128 = arith.constant 0 : index
    %get3A_129 = vector.load %arg23[%get3A_127, %get3A_128] : memref<1x64xf32, #tpu.memory_space<vmem>>, vector<1x64xf32>
    %add3A_130 = vector.broadcast %get3A_129 : vector<1x64xf32> to vector<32x64xf32>
    %add3A_131 = arith.addf %dot_general3A_126, %add3A_130 : vector<32x64xf32>
    %tanh3A_132 = math.tanh %add3A_131 : vector<32x64xf32>
    %get3A_133 = arith.constant 0 : index
    %get3A_134 = arith.constant 0 : index
    %get3A_135 = vector.load %arg44[%get3A_133, %get3A_134] : memref<64x128xf32, #tpu.memory_space<vmem>>, vector<64x128xf32>
    %dot_general3A_136 = arith.constant dense<0.000000e+00> : vector<32x128xf32>
    %dot_general3A_137 = tpu.matmul %tanh3A_132, %get3A_135, %dot_general3A_136 {dimension_numbers = #tpu.dot_dimension_numbers<[1], [0], [0], [1], [0, 0, 1, 1], [], []>, transpose_lhs_hint = false} : vector<32x64xf32>, vector<64x128xf32>, vector<32x128xf32> -> vector<32x128xf32>
    %get3A_138 = arith.constant 0 : index
    %get3A_139 = arith.constant 0 : index
    %get3A_140 = vector.load %arg45[%get3A_138, %get3A_139] : memref<64x128xf32, #tpu.memory_space<vmem>>, vector<64x128xf32>
    %dot_general3A_141 = arith.constant dense<0.000000e+00> : vector<32x128xf32>
    %dot_general3A_142 = tpu.matmul %tanh3A, %get3A_140, %dot_general3A_141 {dimension_numbers = #tpu.dot_dimension_numbers<[1], [0], [0], [1], [0, 0, 1, 1], [], []>, transpose_lhs_hint = false} : vector<32x64xf32>, vector<64x128xf32>, vector<32x128xf32> -> vector<32x128xf32>
    %add3A_143 = arith.addf %dot_general3A_137, %dot_general3A_142 : vector<32x128xf32>
    %get3A_144 = arith.constant 0 : index
    %get3A_145 = arith.constant 0 : index
    %get3A_146 = vector.load %arg47[%get3A_144, %get3A_145] : memref<1x128xf32, #tpu.memory_space<vmem>>, vector<1x128xf32>
    %add3A_147 = vector.broadcast %get3A_146 : vector<1x128xf32> to vector<32x128xf32>
    %add3A_148 = arith.addf %add3A_143, %add3A_147 : vector<32x128xf32>
    %tanh3A_149 = math.tanh %add3A_148 : vector<32x128xf32>
    %get3A_150 = arith.constant 0 : index
    %get3A_151 = arith.constant 0 : index
    %get3A_152 = vector.load %arg7[%get3A_150, %get3A_151] : memref<1600x7xi32, #tpu.memory_space<vmem>>, vector<1600x7xi32>
    %get3A_153 = arith.constant 0 : index
    %get3A_154 = arith.constant 0 : index
    %get3A_155 = vector.load %arg43[%get3A_153, %get3A_154] : memref<1x64xf32, #tpu.memory_space<vmem>>, vector<1x64xf32>
    %slice3A_156 = vector.extract_strided_slice %get3A_152 {offsets = [0, 4], sizes = [1600, 1], strides = [1, 1]} : vector<1600x7xi32> to vector<1600x1xi32>
    %ne3A_157 = arith.constant 0 : i32
    %ne3A_158 = vector.broadcast %ne3A_157 : i32 to vector<1600x1xi32>
    %ne3A_159 = arith.cmpi ne, %slice3A_156, %ne3A_158 : vector<1600x1xi32>
    %convert_element_type3A_160 = arith.extui %ne3A_159 : vector<1600x1xi1> to vector<1600x1xi32>
    %convert_element_type3A_161 = arith.sitofp %convert_element_type3A_160 : vector<1600x1xi32> to vector<1600x1xf32>
    %get3A_162 = arith.constant 0 : index
    %get3A_163 = arith.constant 0 : index
    %get3A_164 = vector.load %arg12[%get3A_162, %get3A_163] : memref<1600x10xf32, #tpu.memory_space<vmem>>, vector<1600x10xf32>
    %get3A_165 = arith.constant 0 : index
    %get3A_166 = arith.constant 0 : index
    %get3A_167 = vector.load %arg40[%get3A_165, %get3A_166] : memref<10x64xf32, #tpu.memory_space<vmem>>, vector<10x64xf32>
    %dot_general3A_168 = arith.constant dense<0.000000e+00> : vector<1600x64xf32>
    %dot_general3A_169 = tpu.matmul %get3A_164, %get3A_167, %dot_general3A_168 {dimension_numbers = #tpu.dot_dimension_numbers<[1], [0], [0], [1], [0, 0, 1, 1], [], []>, transpose_lhs_hint = false} : vector<1600x10xf32>, vector<10x64xf32>, vector<1600x64xf32> -> vector<1600x64xf32>
    %mul3A_170 = vector.broadcast %convert_element_type3A_161 : vector<1600x1xf32> to vector<1600x64xf32>
    %mul3A_171 = arith.mulf %mul3A_170, %dot_general3A_169 : vector<1600x64xf32>
    %add3A_172 = vector.broadcast %get3A_155 : vector<1x64xf32> to vector<1600x64xf32>
    %add3A_173 = arith.addf %add3A_172, %mul3A_171 : vector<1600x64xf32>
    %slice3A_174 = vector.extract_strided_slice %get3A_152 {offsets = [0, 5], sizes = [1600, 1], strides = [1, 1]} : vector<1600x7xi32> to vector<1600x1xi32>
    %ne3A_175 = arith.constant 0 : i32
    %ne3A_176 = vector.broadcast %ne3A_175 : i32 to vector<1600x1xi32>
    %ne3A_177 = arith.cmpi ne, %slice3A_174, %ne3A_176 : vector<1600x1xi32>
    %convert_element_type3A_178 = arith.extui %ne3A_177 : vector<1600x1xi1> to vector<1600x1xi32>
    %convert_element_type3A_179 = arith.sitofp %convert_element_type3A_178 : vector<1600x1xi32> to vector<1600x1xf32>
    %get3A_180 = arith.constant 0 : index
    %get3A_181 = arith.constant 0 : index
    %get3A_182 = vector.load %arg13[%get3A_180, %get3A_181] : memref<1600x5xf32, #tpu.memory_space<vmem>>, vector<1600x5xf32>
    %get3A_183 = arith.constant 0 : index
    %get3A_184 = arith.constant 0 : index
    %get3A_185 = vector.load %arg41[%get3A_183, %get3A_184] : memref<5x64xf32, #tpu.memory_space<vmem>>, vector<5x64xf32>
    %dot_general3A_186 = arith.constant dense<0.000000e+00> : vector<1600x64xf32>
    %dot_general3A_187 = tpu.matmul %get3A_182, %get3A_185, %dot_general3A_186 {dimension_numbers = #tpu.dot_dimension_numbers<[1], [0], [0], [1], [0, 0, 1, 1], [], []>, transpose_lhs_hint = false} : vector<1600x5xf32>, vector<5x64xf32>, vector<1600x64xf32> -> vector<1600x64xf32>
    %mul3A_188 = vector.broadcast %convert_element_type3A_179 : vector<1600x1xf32> to vector<1600x64xf32>
    %mul3A_189 = arith.mulf %mul3A_188, %dot_general3A_187 : vector<1600x64xf32>
    %add3A_190 = arith.addf %add3A_173, %mul3A_189 : vector<1600x64xf32>
    %slice3A_191 = vector.extract_strided_slice %get3A_152 {offsets = [0, 6], sizes = [1600, 1], strides = [1, 1]} : vector<1600x7xi32> to vector<1600x1xi32>
    %ne3A_192 = arith.constant 0 : i32
    %ne3A_193 = vector.broadcast %ne3A_192 : i32 to vector<1600x1xi32>
    %ne3A_194 = arith.cmpi ne, %slice3A_191, %ne3A_193 : vector<1600x1xi32>
    %convert_element_type3A_195 = arith.extui %ne3A_194 : vector<1600x1xi1> to vector<1600x1xi32>
    %convert_element_type3A_196 = arith.sitofp %convert_element_type3A_195 : vector<1600x1xi32> to vector<1600x1xf32>
    %get3A_197 = arith.constant 0 : index
    %get3A_198 = arith.constant 0 : index
    %get3A_199 = vector.load %arg14[%get3A_197, %get3A_198] : memref<1600x10xf32, #tpu.memory_space<vmem>>, vector<1600x10xf32>
    %get3A_200 = arith.constant 0 : index
    %get3A_201 = arith.constant 0 : index
    %get3A_202 = vector.load %arg42[%get3A_200, %get3A_201] : memref<10x64xf32, #tpu.memory_space<vmem>>, vector<10x64xf32>
    %dot_general3A_203 = arith.constant dense<0.000000e+00> : vector<1600x64xf32>
    %dot_general3A_204 = tpu.matmul %get3A_199, %get3A_202, %dot_general3A_203 {dimension_numbers = #tpu.dot_dimension_numbers<[1], [0], [0], [1], [0, 0, 1, 1], [], []>, transpose_lhs_hint = false} : vector<1600x10xf32>, vector<10x64xf32>, vector<1600x64xf32> -> vector<1600x64xf32>
    %mul3A_205 = vector.broadcast %convert_element_type3A_196 : vector<1600x1xf32> to vector<1600x64xf32>
    %mul3A_206 = arith.mulf %mul3A_205, %dot_general3A_204 : vector<1600x64xf32>
    %add3A_207 = arith.addf %add3A_190, %mul3A_206 : vector<1600x64xf32>
    %get3A_208 = arith.constant 0 : index
    %get3A_209 = arith.constant 0 : index
    %get3A_210 = vector.load %arg8[%get3A_208, %get3A_209] : memref<3x10xf32, #tpu.memory_space<vmem>>, vector<3x10xf32>
    %get3A_211 = arith.constant 0 : index
    %get3A_212 = arith.constant 0 : index
    %get3A_213 = vector.load %arg36[%get3A_211, %get3A_212] : memref<10x64xf32, #tpu.memory_space<vmem>>, vector<10x64xf32>
    %dot_general3A_214 = arith.constant dense<0.000000e+00> : vector<3x64xf32>
    %dot_general3A_215 = tpu.matmul %get3A_210, %get3A_213, %dot_general3A_214 {dimension_numbers = #tpu.dot_dimension_numbers<[1], [0], [0], [1], [0, 0, 1, 1], [], []>, transpose_lhs_hint = false} : vector<3x10xf32>, vector<10x64xf32>, vector<3x64xf32> -> vector<3x64xf32>
    %slice3A_216 = vector.extract_strided_slice %get3A_152 {offsets = [0, 0], sizes = [1600, 1], strides = [1, 1]} : vector<1600x7xi32> to vector<1600x1xi32>
    %broadcast_in_dim3A = vector.shape_cast %slice3A_216 : vector<1600x1xi32> to vector<1600x1xi32>
    %broadcast_in_dim3A_217 = vector.broadcast %broadcast_in_dim3A : vector<1600x1xi32> to vector<1600x3xi32>
    %iota3A = tpu.iota {dimensions = array<i32: 1>} : vector<1600x3xi32>
    %eq3A = arith.cmpi eq, %broadcast_in_dim3A_217, %iota3A : vector<1600x3xi32>
    %convert_element_type3A_218 = arith.extui %eq3A : vector<1600x3xi1> to vector<1600x3xi32>
    %convert_element_type3A_219 = arith.sitofp %convert_element_type3A_218 : vector<1600x3xi32> to vector<1600x3xf32>
    %ne3A_220 = arith.constant 0 : i32
    %ne3A_221 = vector.broadcast %ne3A_220 : i32 to vector<1600x1xi32>
    %ne3A_222 = arith.cmpi ne, %slice3A_216, %ne3A_221 : vector<1600x1xi32>
    %convert_element_type3A_223 = arith.extui %ne3A_222 : vector<1600x1xi1> to vector<1600x1xi32>
    %convert_element_type3A_224 = arith.sitofp %convert_element_type3A_223 : vector<1600x1xi32> to vector<1600x1xf32>
    %dot_general3A_225 = arith.constant dense<0.000000e+00> : vector<1600x64xf32>
    %dot_general3A_226 = tpu.matmul %convert_element_type3A_219, %dot_general3A_215, %dot_general3A_225 {dimension_numbers = #tpu.dot_dimension_numbers<[1], [0], [0], [1], [0, 0, 1, 1], [], []>, transpose_lhs_hint = false} : vector<1600x3xf32>, vector<3x64xf32>, vector<1600x64xf32> -> vector<1600x64xf32>
    %mul3A_227 = vector.broadcast %convert_element_type3A_224 : vector<1600x1xf32> to vector<1600x64xf32>
    %mul3A_228 = arith.mulf %mul3A_227, %dot_general3A_226 : vector<1600x64xf32>
    %add3A_229 = arith.addf %add3A_207, %mul3A_228 : vector<1600x64xf32>
    %get3A_230 = arith.constant 0 : index
    %get3A_231 = arith.constant 0 : index
    %get3A_232 = vector.load %arg9[%get3A_230, %get3A_231] : memref<4x10xf32, #tpu.memory_space<vmem>>, vector<4x10xf32>
    %get3A_233 = arith.constant 0 : index
    %get3A_234 = arith.constant 0 : index
    %get3A_235 = vector.load %arg37[%get3A_233, %get3A_234] : memref<10x64xf32, #tpu.memory_space<vmem>>, vector<10x64xf32>
    %dot_general3A_236 = arith.constant dense<0.000000e+00> : vector<4x64xf32>
    %dot_general3A_237 = tpu.matmul %get3A_232, %get3A_235, %dot_general3A_236 {dimension_numbers = #tpu.dot_dimension_numbers<[1], [0], [0], [1], [0, 0, 1, 1], [], []>, transpose_lhs_hint = false} : vector<4x10xf32>, vector<10x64xf32>, vector<4x64xf32> -> vector<4x64xf32>
    %slice3A_238 = vector.extract_strided_slice %get3A_152 {offsets = [0, 1], sizes = [1600, 1], strides = [1, 1]} : vector<1600x7xi32> to vector<1600x1xi32>
    %broadcast_in_dim3A_239 = vector.shape_cast %slice3A_238 : vector<1600x1xi32> to vector<1600x1xi32>
    %broadcast_in_dim3A_240 = vector.broadcast %broadcast_in_dim3A_239 : vector<1600x1xi32> to vector<1600x4xi32>
    %iota3A_241 = tpu.iota {dimensions = array<i32: 1>} : vector<1600x4xi32>
    %eq3A_242 = arith.cmpi eq, %broadcast_in_dim3A_240, %iota3A_241 : vector<1600x4xi32>
    %convert_element_type3A_243 = arith.extui %eq3A_242 : vector<1600x4xi1> to vector<1600x4xi32>
    %convert_element_type3A_244 = arith.sitofp %convert_element_type3A_243 : vector<1600x4xi32> to vector<1600x4xf32>
    %ne3A_245 = arith.constant 0 : i32
    %ne3A_246 = vector.broadcast %ne3A_245 : i32 to vector<1600x1xi32>
    %ne3A_247 = arith.cmpi ne, %slice3A_238, %ne3A_246 : vector<1600x1xi32>
    %convert_element_type3A_248 = arith.extui %ne3A_247 : vector<1600x1xi1> to vector<1600x1xi32>
    %convert_element_type3A_249 = arith.sitofp %convert_element_type3A_248 : vector<1600x1xi32> to vector<1600x1xf32>
    %dot_general3A_250 = arith.constant dense<0.000000e+00> : vector<1600x64xf32>
    %dot_general3A_251 = tpu.matmul %convert_element_type3A_244, %dot_general3A_237, %dot_general3A_250 {dimension_numbers = #tpu.dot_dimension_numbers<[1], [0], [0], [1], [0, 0, 1, 1], [], []>, transpose_lhs_hint = false} : vector<1600x4xf32>, vector<4x64xf32>, vector<1600x64xf32> -> vector<1600x64xf32>
    %mul3A_252 = vector.broadcast %convert_element_type3A_249 : vector<1600x1xf32> to vector<1600x64xf32>
    %mul3A_253 = arith.mulf %mul3A_252, %dot_general3A_251 : vector<1600x64xf32>
    %add3A_254 = arith.addf %add3A_229, %mul3A_253 : vector<1600x64xf32>
    %get3A_255 = arith.constant 0 : index
    %get3A_256 = arith.constant 0 : index
    %get3A_257 = vector.load %arg10[%get3A_255, %get3A_256] : memref<3x10xf32, #tpu.memory_space<vmem>>, vector<3x10xf32>
    %get3A_258 = arith.constant 0 : index
    %get3A_259 = arith.constant 0 : index
    %get3A_260 = vector.load %arg38[%get3A_258, %get3A_259] : memref<10x64xf32, #tpu.memory_space<vmem>>, vector<10x64xf32>
    %dot_general3A_261 = arith.constant dense<0.000000e+00> : vector<3x64xf32>
    %dot_general3A_262 = tpu.matmul %get3A_257, %get3A_260, %dot_general3A_261 {dimension_numbers = #tpu.dot_dimension_numbers<[1], [0], [0], [1], [0, 0, 1, 1], [], []>, transpose_lhs_hint = false} : vector<3x10xf32>, vector<10x64xf32>, vector<3x64xf32> -> vector<3x64xf32>
    %slice3A_263 = vector.extract_strided_slice %get3A_152 {offsets = [0, 2], sizes = [1600, 1], strides = [1, 1]} : vector<1600x7xi32> to vector<1600x1xi32>
    %broadcast_in_dim3A_264 = vector.shape_cast %slice3A_263 : vector<1600x1xi32> to vector<1600x1xi32>
    %broadcast_in_dim3A_265 = vector.broadcast %broadcast_in_dim3A_264 : vector<1600x1xi32> to vector<1600x3xi32>
    %iota3A_266 = tpu.iota {dimensions = array<i32: 1>} : vector<1600x3xi32>
    %eq3A_267 = arith.cmpi eq, %broadcast_in_dim3A_265, %iota3A_266 : vector<1600x3xi32>
    %convert_element_type3A_268 = arith.extui %eq3A_267 : vector<1600x3xi1> to vector<1600x3xi32>
    %convert_element_type3A_269 = arith.sitofp %convert_element_type3A_268 : vector<1600x3xi32> to vector<1600x3xf32>
    %ne3A_270 = arith.constant 0 : i32
    %ne3A_271 = vector.broadcast %ne3A_270 : i32 to vector<1600x1xi32>
    %ne3A_272 = arith.cmpi ne, %slice3A_263, %ne3A_271 : vector<1600x1xi32>
    %convert_element_type3A_273 = arith.extui %ne3A_272 : vector<1600x1xi1> to vector<1600x1xi32>
    %convert_element_type3A_274 = arith.sitofp %convert_element_type3A_273 : vector<1600x1xi32> to vector<1600x1xf32>
    %dot_general3A_275 = arith.constant dense<0.000000e+00> : vector<1600x64xf32>
    %dot_general3A_276 = tpu.matmul %convert_element_type3A_269, %dot_general3A_262, %dot_general3A_275 {dimension_numbers = #tpu.dot_dimension_numbers<[1], [0], [0], [1], [0, 0, 1, 1], [], []>, transpose_lhs_hint = false} : vector<1600x3xf32>, vector<3x64xf32>, vector<1600x64xf32> -> vector<1600x64xf32>
    %mul3A_277 = vector.broadcast %convert_element_type3A_274 : vector<1600x1xf32> to vector<1600x64xf32>
    %mul3A_278 = arith.mulf %mul3A_277, %dot_general3A_276 : vector<1600x64xf32>
    %add3A_279 = arith.addf %add3A_254, %mul3A_278 : vector<1600x64xf32>
    %get3A_280 = arith.constant 0 : index
    %get3A_281 = arith.constant 0 : index
    %get3A_282 = vector.load %arg11[%get3A_280, %get3A_281] : memref<4x10xf32, #tpu.memory_space<vmem>>, vector<4x10xf32>
    %get3A_283 = arith.constant 0 : index
    %get3A_284 = arith.constant 0 : index
    %get3A_285 = vector.load %arg39[%get3A_283, %get3A_284] : memref<10x64xf32, #tpu.memory_space<vmem>>, vector<10x64xf32>
    %dot_general3A_286 = arith.constant dense<0.000000e+00> : vector<4x64xf32>
    %dot_general3A_287 = tpu.matmul %get3A_282, %get3A_285, %dot_general3A_286 {dimension_numbers = #tpu.dot_dimension_numbers<[1], [0], [0], [1], [0, 0, 1, 1], [], []>, transpose_lhs_hint = false} : vector<4x10xf32>, vector<10x64xf32>, vector<4x64xf32> -> vector<4x64xf32>
    %slice3A_288 = vector.extract_strided_slice %get3A_152 {offsets = [0, 3], sizes = [1600, 1], strides = [1, 1]} : vector<1600x7xi32> to vector<1600x1xi32>
    %broadcast_in_dim3A_289 = vector.shape_cast %slice3A_288 : vector<1600x1xi32> to vector<1600x1xi32>
    %broadcast_in_dim3A_290 = vector.broadcast %broadcast_in_dim3A_289 : vector<1600x1xi32> to vector<1600x4xi32>
    %iota3A_291 = tpu.iota {dimensions = array<i32: 1>} : vector<1600x4xi32>
    %eq3A_292 = arith.cmpi eq, %broadcast_in_dim3A_290, %iota3A_291 : vector<1600x4xi32>
    %convert_element_type3A_293 = arith.extui %eq3A_292 : vector<1600x4xi1> to vector<1600x4xi32>
    %convert_element_type3A_294 = arith.sitofp %convert_element_type3A_293 : vector<1600x4xi32> to vector<1600x4xf32>
    %ne3A_295 = arith.constant 0 : i32
    %ne3A_296 = vector.broadcast %ne3A_295 : i32 to vector<1600x1xi32>
    %ne3A_297 = arith.cmpi ne, %slice3A_288, %ne3A_296 : vector<1600x1xi32>
    %convert_element_type3A_298 = arith.extui %ne3A_297 : vector<1600x1xi1> to vector<1600x1xi32>
    %convert_element_type3A_299 = arith.sitofp %convert_element_type3A_298 : vector<1600x1xi32> to vector<1600x1xf32>
    %dot_general3A_300 = arith.constant dense<0.000000e+00> : vector<1600x64xf32>
    %dot_general3A_301 = tpu.matmul %convert_element_type3A_294, %dot_general3A_287, %dot_general3A_300 {dimension_numbers = #tpu.dot_dimension_numbers<[1], [0], [0], [1], [0, 0, 1, 1], [], []>, transpose_lhs_hint = false} : vector<1600x4xf32>, vector<4x64xf32>, vector<1600x64xf32> -> vector<1600x64xf32>
    %mul3A_302 = vector.broadcast %convert_element_type3A_299 : vector<1600x1xf32> to vector<1600x64xf32>
    %mul3A_303 = arith.mulf %mul3A_302, %dot_general3A_301 : vector<1600x64xf32>
    %add3A_304 = arith.addf %add3A_279, %mul3A_303 : vector<1600x64xf32>
    %tanh3A_305 = math.tanh %add3A_304 : vector<1600x64xf32>
    %get3A_306 = arith.constant 0 : index
    %get3A_307 = arith.constant 0 : index
    %get3A_308 = vector.load %arg5[%get3A_306, %get3A_307] : memref<1600x25xf32, #tpu.memory_space<vmem>>, vector<1600x25xf32>
    %get3A_309 = arith.constant 0 : index
    %get3A_310 = arith.constant 0 : index
    %get3A_311 = vector.load %arg24[%get3A_309, %get3A_310] : memref<25x64xf32, #tpu.memory_space<vmem>>, vector<25x64xf32>
    %dot_general3A_312 = arith.constant dense<0.000000e+00> : vector<1600x64xf32>
    %dot_general3A_313 = tpu.matmul %get3A_308, %get3A_311, %dot_general3A_312 {dimension_numbers = #tpu.dot_dimension_numbers<[1], [0], [0], [1], [0, 0, 1, 1], [], []>, transpose_lhs_hint = false} : vector<1600x25xf32>, vector<25x64xf32>, vector<1600x64xf32> -> vector<1600x64xf32>
    %get3A_314 = arith.constant 0 : index
    %get3A_315 = arith.constant 0 : index
    %get3A_316 = vector.load %arg25[%get3A_314, %get3A_315] : memref<1x64xf32, #tpu.memory_space<vmem>>, vector<1x64xf32>
    %add3A_317 = vector.broadcast %get3A_316 : vector<1x64xf32> to vector<1600x64xf32>
    %add3A_318 = arith.addf %dot_general3A_313, %add3A_317 : vector<1600x64xf32>
    %tanh3A_319 = math.tanh %add3A_318 : vector<1600x64xf32>
    %get3A_320 = arith.constant 0 : index
    %get3A_321 = arith.constant 0 : index
    %get3A_322 = vector.load %arg44[%get3A_320, %get3A_321] : memref<64x128xf32, #tpu.memory_space<vmem>>, vector<64x128xf32>
    %dot_general3A_323 = arith.constant dense<0.000000e+00> : vector<1600x128xf32>
    %dot_general3A_324 = tpu.matmul %tanh3A_319, %get3A_322, %dot_general3A_323 {dimension_numbers = #tpu.dot_dimension_numbers<[1], [0], [0], [1], [0, 0, 1, 1], [], []>, transpose_lhs_hint = false} : vector<1600x64xf32>, vector<64x128xf32>, vector<1600x128xf32> -> vector<1600x128xf32>
    %get3A_325 = arith.constant 0 : index
    %get3A_326 = arith.constant 0 : index
    %get3A_327 = vector.load %arg45[%get3A_325, %get3A_326] : memref<64x128xf32, #tpu.memory_space<vmem>>, vector<64x128xf32>
    %dot_general3A_328 = arith.constant dense<0.000000e+00> : vector<1600x128xf32>
    %dot_general3A_329 = tpu.matmul %tanh3A_305, %get3A_327, %dot_general3A_328 {dimension_numbers = #tpu.dot_dimension_numbers<[1], [0], [0], [1], [0, 0, 1, 1], [], []>, transpose_lhs_hint = false} : vector<1600x64xf32>, vector<64x128xf32>, vector<1600x128xf32> -> vector<1600x128xf32>
    %add3A_330 = arith.addf %dot_general3A_324, %dot_general3A_329 : vector<1600x128xf32>
    %get3A_331 = arith.constant 0 : index
    %get3A_332 = arith.constant 0 : index
    %get3A_333 = vector.load %arg47[%get3A_331, %get3A_332] : memref<1x128xf32, #tpu.memory_space<vmem>>, vector<1x128xf32>
    %add3A_334 = vector.broadcast %get3A_333 : vector<1x128xf32> to vector<1600x128xf32>
    %add3A_335 = arith.addf %add3A_330, %add3A_334 : vector<1600x128xf32>
    %tanh3A_336 = math.tanh %add3A_335 : vector<1600x128xf32>
    %get3A_337 = arith.constant 0 : index
    %get3A_338 = arith.constant 0 : index
    %get3A_339 = vector.load %arg6[%get3A_337, %get3A_338] : memref<1600x20xf32, #tpu.memory_space<vmem>>, vector<1600x20xf32>
    %get3A_340 = arith.constant 0 : index
    %get3A_341 = arith.constant 0 : index
    %get3A_342 = vector.load %arg26[%get3A_340, %get3A_341] : memref<20x128xf32, #tpu.memory_space<vmem>>, vector<20x128xf32>
    %dot_general3A_343 = arith.constant dense<0.000000e+00> : vector<1600x128xf32>
    %dot_general3A_344 = tpu.matmul %get3A_339, %get3A_342, %dot_general3A_343 {dimension_numbers = #tpu.dot_dimension_numbers<[1], [0], [0], [1], [0, 0, 1, 1], [], []>, transpose_lhs_hint = false} : vector<1600x20xf32>, vector<20x128xf32>, vector<1600x128xf32> -> vector<1600x128xf32>
    %get3A_345 = arith.constant 0 : index
    %get3A_346 = arith.constant 0 : index
    %get3A_347 = vector.load %arg27[%get3A_345, %get3A_346] : memref<1x128xf32, #tpu.memory_space<vmem>>, vector<1x128xf32>
    %add3A_348 = vector.broadcast %get3A_347 : vector<1x128xf32> to vector<1600x128xf32>
    %add3A_349 = arith.addf %dot_general3A_344, %add3A_348 : vector<1600x128xf32>
    %tanh3A_350 = math.tanh %add3A_349 : vector<1600x128xf32>
    %get3A_351 = arith.constant 0 : index
    %get3A_352 = arith.constant 0 : index
    %get3A_353 = vector.load %arg46[%get3A_351, %get3A_352] : memref<128x128xf32, #tpu.memory_space<vmem>>, vector<128x128xf32>
    %dot_general3A_354 = arith.constant dense<0.000000e+00> : vector<1600x128xf32>
    %dot_general3A_355 = tpu.matmul %tanh3A_350, %get3A_353, %dot_general3A_354 {dimension_numbers = #tpu.dot_dimension_numbers<[1], [0], [0], [1], [0, 0, 1, 1], [], []>, transpose_lhs_hint = false} : vector<1600x128xf32>, vector<128x128xf32>, vector<1600x128xf32> -> vector<1600x128xf32>
    %get3A_356 = arith.constant 0 : index
    %get3A_357 = arith.constant 0 : index
    %get3A_358 = vector.load %arg47[%get3A_356, %get3A_357] : memref<1x128xf32, #tpu.memory_space<vmem>>, vector<1x128xf32>
    %add3A_359 = vector.broadcast %get3A_358 : vector<1x128xf32> to vector<1600x128xf32>
    %add3A_360 = arith.addf %dot_general3A_355, %add3A_359 : vector<1600x128xf32>
    %tanh3A_361 = math.tanh %add3A_360 : vector<1600x128xf32>
    %iota3A_362 = tpu.iota {dimensions = array<i32: 0>} : vector<1600x32xi32>
    %jit3A = arith.constant 50 : i32
    %div3A = vector.broadcast %jit3A : i32 to vector<1600x32xi32>
    %div3A_363 = arith.divsi %iota3A_362, %div3A : vector<1600x32xi32>
    %sign3A = arith.constant 0 : i32
    %sign3A_364 = vector.broadcast %sign3A : i32 to vector<1600x32xi32>
    %sign3A_365 = arith.cmpi sgt, %iota3A_362, %sign3A_364 : vector<1600x32xi32>
    %sign3A_366 = arith.extui %sign3A_365 : vector<1600x32xi1> to vector<1600x32xi32>
    %sign3A_367 = arith.constant 0 : i32
    %sign3A_368 = vector.broadcast %sign3A_367 : i32 to vector<1600x32xi32>
    %sign3A_369 = arith.cmpi slt, %iota3A_362, %sign3A_368 : vector<1600x32xi32>
    %sign3A_370 = arith.extui %sign3A_369 : vector<1600x32xi1> to vector<1600x32xi32>
    %sign3A_371 = arith.subi %sign3A_366, %sign3A_370 : vector<1600x32xi32>
    %sign3A_372 = arith.constant 0 : i32
    %sign3A_373 = arith.cmpi sgt, %jit3A, %sign3A_372 : i32
    %sign3A_374 = arith.extui %sign3A_373 : i1 to i32
    %sign3A_375 = arith.constant 0 : i32
    %sign3A_376 = arith.cmpi slt, %jit3A, %sign3A_375 : i32
    %sign3A_377 = arith.extui %sign3A_376 : i1 to i32
    %sign3A_378 = arith.subi %sign3A_374, %sign3A_377 : i32
    %ne3A_379 = vector.broadcast %sign3A_378 : i32 to vector<1600x32xi32>
    %ne3A_380 = arith.cmpi ne, %sign3A_371, %ne3A_379 : vector<1600x32xi32>
    %rem3A = vector.broadcast %jit3A : i32 to vector<1600x32xi32>
    %rem3A_381 = arith.remsi %iota3A_362, %rem3A : vector<1600x32xi32>
    %ne3A_382 = arith.constant 0 : i32
    %ne3A_383 = vector.broadcast %ne3A_382 : i32 to vector<1600x32xi32>
    %ne3A_384 = arith.cmpi ne, %rem3A_381, %ne3A_383 : vector<1600x32xi32>
    %and3A = arith.andi %ne3A_380, %ne3A_384 : vector<1600x32xi1>
    %sub3A = arith.constant 1 : i32
    %sub3A_385 = vector.broadcast %sub3A : i32 to vector<1600x32xi32>
    %sub3A_386 = arith.subi %div3A_363, %sub3A_385 : vector<1600x32xi32>
    %select_n3A = arith.select %and3A, %sub3A_386, %div3A_363 : vector<1600x32xi1>, vector<1600x32xi32>
    %iota3A_387 = tpu.iota {dimensions = array<i32: 1>} : vector<1600x32xi32>
    %eq3A_388 = arith.cmpi eq, %select_n3A, %iota3A_387 : vector<1600x32xi32>
    %convert_element_type3A_389 = arith.extui %eq3A_388 : vector<1600x32xi1> to vector<1600x32xi32>
    %convert_element_type3A_390 = arith.sitofp %convert_element_type3A_389 : vector<1600x32xi32> to vector<1600x32xf32>
    %dot_general3A_391 = arith.constant dense<0.000000e+00> : vector<1600x128xf32>
    %dot_general3A_392 = tpu.matmul %convert_element_type3A_390, %tanh3A_149, %dot_general3A_391 {dimension_numbers = #tpu.dot_dimension_numbers<[1], [0], [0], [1], [0, 0, 1, 1], [], []>, transpose_lhs_hint = false} : vector<1600x32xf32>, vector<32x128xf32>, vector<1600x128xf32> -> vector<1600x128xf32>
    %mul3A_393 = arith.mulf %dot_general3A_392, %dot_general3A_392 : vector<1600x128xf32>
    %reduce_sum3A = arith.constant dense<0.000000e+00> : vector<1600xf32>
    %reduce_sum3A_394 = vector.multi_reduction <add>, %mul3A_393, %reduce_sum3A [1] : vector<1600x128xf32> to vector<1600xf32>
    %broadcast_in_dim3A_395 = vector.shape_cast %reduce_sum3A_394 : vector<1600xf32> to vector<1600x1xf32>
    %mul3A_396 = arith.mulf %dot_general3A_392, %tanh3A_336 : vector<1600x128xf32>
    %reduce_sum3A_397 = arith.constant dense<0.000000e+00> : vector<1600xf32>
    %reduce_sum3A_398 = vector.multi_reduction <add>, %mul3A_396, %reduce_sum3A_397 [1] : vector<1600x128xf32> to vector<1600xf32>
    %broadcast_in_dim3A_399 = vector.shape_cast %reduce_sum3A_398 : vector<1600xf32> to vector<1600x1xf32>
    %mul3A_400 = arith.mulf %dot_general3A_392, %tanh3A_361 : vector<1600x128xf32>
    %reduce_sum3A_401 = arith.constant dense<0.000000e+00> : vector<1600xf32>
    %reduce_sum3A_402 = vector.multi_reduction <add>, %mul3A_400, %reduce_sum3A_401 [1] : vector<1600x128xf32> to vector<1600xf32>
    %broadcast_in_dim3A_403 = vector.shape_cast %reduce_sum3A_402 : vector<1600xf32> to vector<1600x1xf32>
    %mul3A_404 = arith.mulf %tanh3A_336, %tanh3A_336 : vector<1600x128xf32>
    %reduce_sum3A_405 = arith.constant dense<0.000000e+00> : vector<1600xf32>
    %reduce_sum3A_406 = vector.multi_reduction <add>, %mul3A_404, %reduce_sum3A_405 [1] : vector<1600x128xf32> to vector<1600xf32>
    %broadcast_in_dim3A_407 = vector.shape_cast %reduce_sum3A_406 : vector<1600xf32> to vector<1600x1xf32>
    %mul3A_408 = arith.mulf %tanh3A_336, %tanh3A_361 : vector<1600x128xf32>
    %reduce_sum3A_409 = arith.constant dense<0.000000e+00> : vector<1600xf32>
    %reduce_sum3A_410 = vector.multi_reduction <add>, %mul3A_408, %reduce_sum3A_409 [1] : vector<1600x128xf32> to vector<1600xf32>
    %broadcast_in_dim3A_411 = vector.shape_cast %reduce_sum3A_410 : vector<1600xf32> to vector<1600x1xf32>
    %mul3A_412 = arith.mulf %tanh3A_361, %tanh3A_361 : vector<1600x128xf32>
    %reduce_sum3A_413 = arith.constant dense<0.000000e+00> : vector<1600xf32>
    %reduce_sum3A_414 = vector.multi_reduction <add>, %mul3A_412, %reduce_sum3A_413 [1] : vector<1600x128xf32> to vector<1600xf32>
    %broadcast_in_dim3A_415 = vector.shape_cast %reduce_sum3A_414 : vector<1600xf32> to vector<1600x1xf32>
    %broadcast_in_dim3A_416 = arith.constant 0.000000e+00 : f32
    %broadcast_in_dim3A_417 = vector.broadcast %broadcast_in_dim3A_416 : f32 to vector<1600x1xf32>
    %broadcast_in_dim3A_418 = arith.constant 0.000000e+00 : f32
    %broadcast_in_dim3A_419 = vector.broadcast %broadcast_in_dim3A_418 : f32 to vector<1600x1xf32>
    %broadcast_in_dim3A_420 = arith.constant 0.000000e+00 : f32
    %broadcast_in_dim3A_421 = vector.broadcast %broadcast_in_dim3A_420 : f32 to vector<1600x1xf32>
    %max3A = arith.maximumf %broadcast_in_dim3A_395, %broadcast_in_dim3A_399 : vector<1600x1xf32>
    %max3A_422 = arith.maximumf %max3A, %broadcast_in_dim3A_403 : vector<1600x1xf32>
    %sub3A_423 = arith.subf %broadcast_in_dim3A_395, %max3A_422 : vector<1600x1xf32>
    %exp3A = math.exp %sub3A_423 : vector<1600x1xf32>
    %sub3A_424 = arith.subf %broadcast_in_dim3A_399, %max3A_422 : vector<1600x1xf32>
    %exp3A_425 = math.exp %sub3A_424 : vector<1600x1xf32>
    %sub3A_426 = arith.subf %broadcast_in_dim3A_403, %max3A_422 : vector<1600x1xf32>
    %exp3A_427 = math.exp %sub3A_426 : vector<1600x1xf32>
    %add3A_428 = arith.addf %exp3A, %exp3A_425 : vector<1600x1xf32>
    %add3A_429 = arith.addf %add3A_428, %exp3A_427 : vector<1600x1xf32>
    %div3A_430 = arith.constant 1.000000e+00 : f32
    %div3A_431 = vector.broadcast %div3A_430 : f32 to vector<1600x1xf32>
    %div3A_432 = arith.divf %div3A_431, %add3A_429 : vector<1600x1xf32>
    %mul3A_433 = arith.mulf %exp3A, %div3A_432 : vector<1600x1xf32>
    %add3A_434 = arith.addf %broadcast_in_dim3A_417, %mul3A_433 : vector<1600x1xf32>
    %mul3A_435 = arith.mulf %exp3A_425, %div3A_432 : vector<1600x1xf32>
    %add3A_436 = arith.addf %broadcast_in_dim3A_419, %mul3A_435 : vector<1600x1xf32>
    %mul3A_437 = arith.mulf %exp3A_427, %div3A_432 : vector<1600x1xf32>
    %add3A_438 = arith.addf %broadcast_in_dim3A_421, %mul3A_437 : vector<1600x1xf32>
    %max3A_439 = arith.maximumf %broadcast_in_dim3A_399, %broadcast_in_dim3A_407 : vector<1600x1xf32>
    %max3A_440 = arith.maximumf %max3A_439, %broadcast_in_dim3A_411 : vector<1600x1xf32>
    %sub3A_441 = arith.subf %broadcast_in_dim3A_399, %max3A_440 : vector<1600x1xf32>
    %exp3A_442 = math.exp %sub3A_441 : vector<1600x1xf32>
    %sub3A_443 = arith.subf %broadcast_in_dim3A_407, %max3A_440 : vector<1600x1xf32>
    %exp3A_444 = math.exp %sub3A_443 : vector<1600x1xf32>
    %sub3A_445 = arith.subf %broadcast_in_dim3A_411, %max3A_440 : vector<1600x1xf32>
    %exp3A_446 = math.exp %sub3A_445 : vector<1600x1xf32>
    %add3A_447 = arith.addf %exp3A_442, %exp3A_444 : vector<1600x1xf32>
    %add3A_448 = arith.addf %add3A_447, %exp3A_446 : vector<1600x1xf32>
    %div3A_449 = arith.constant 1.000000e+00 : f32
    %div3A_450 = vector.broadcast %div3A_449 : f32 to vector<1600x1xf32>
    %div3A_451 = arith.divf %div3A_450, %add3A_448 : vector<1600x1xf32>
    %mul3A_452 = arith.mulf %exp3A_442, %div3A_451 : vector<1600x1xf32>
    %add3A_453 = arith.addf %add3A_434, %mul3A_452 : vector<1600x1xf32>
    %mul3A_454 = arith.mulf %exp3A_444, %div3A_451 : vector<1600x1xf32>
    %add3A_455 = arith.addf %add3A_436, %mul3A_454 : vector<1600x1xf32>
    %mul3A_456 = arith.mulf %exp3A_446, %div3A_451 : vector<1600x1xf32>
    %add3A_457 = arith.addf %add3A_438, %mul3A_456 : vector<1600x1xf32>
    %max3A_458 = arith.maximumf %broadcast_in_dim3A_403, %broadcast_in_dim3A_411 : vector<1600x1xf32>
    %max3A_459 = arith.maximumf %max3A_458, %broadcast_in_dim3A_415 : vector<1600x1xf32>
    %sub3A_460 = arith.subf %broadcast_in_dim3A_403, %max3A_459 : vector<1600x1xf32>
    %exp3A_461 = math.exp %sub3A_460 : vector<1600x1xf32>
    %sub3A_462 = arith.subf %broadcast_in_dim3A_411, %max3A_459 : vector<1600x1xf32>
    %exp3A_463 = math.exp %sub3A_462 : vector<1600x1xf32>
    %sub3A_464 = arith.subf %broadcast_in_dim3A_415, %max3A_459 : vector<1600x1xf32>
    %exp3A_465 = math.exp %sub3A_464 : vector<1600x1xf32>
    %add3A_466 = arith.addf %exp3A_461, %exp3A_463 : vector<1600x1xf32>
    %add3A_467 = arith.addf %add3A_466, %exp3A_465 : vector<1600x1xf32>
    %div3A_468 = arith.constant 1.000000e+00 : f32
    %div3A_469 = vector.broadcast %div3A_468 : f32 to vector<1600x1xf32>
    %div3A_470 = arith.divf %div3A_469, %add3A_467 : vector<1600x1xf32>
    %mul3A_471 = arith.mulf %exp3A_461, %div3A_470 : vector<1600x1xf32>
    %add3A_472 = arith.addf %add3A_453, %mul3A_471 : vector<1600x1xf32>
    %mul3A_473 = arith.mulf %exp3A_463, %div3A_470 : vector<1600x1xf32>
    %add3A_474 = arith.addf %add3A_455, %mul3A_473 : vector<1600x1xf32>
    %mul3A_475 = arith.mulf %exp3A_465, %div3A_470 : vector<1600x1xf32>
    %add3A_476 = arith.addf %add3A_457, %mul3A_475 : vector<1600x1xf32>
    %get3A_477 = arith.constant 0 : index
    %get3A_478 = arith.constant 0 : index
    %get3A_479 = vector.load %arg48[%get3A_477, %get3A_478] : memref<1x128xf32, #tpu.memory_space<vmem>>, vector<1x128xf32>
    %broadcast_in_dim3A_480 = vector.shape_cast %get3A_479 : vector<1x128xf32> to vector<1x128xf32>
    %broadcast_in_dim3A_481 = vector.broadcast %broadcast_in_dim3A_480 : vector<1x128xf32> to vector<1600x128xf32>
    %mul3A_482 = arith.mulf %dot_general3A_392, %broadcast_in_dim3A_481 : vector<1600x128xf32>
    %reduce_sum3A_483 = arith.constant dense<0.000000e+00> : vector<1600xf32>
    %reduce_sum3A_484 = vector.multi_reduction <add>, %mul3A_482, %reduce_sum3A_483 [1] : vector<1600x128xf32> to vector<1600xf32>
    %broadcast_in_dim3A_485 = vector.shape_cast %reduce_sum3A_484 : vector<1600xf32> to vector<1600x1xf32>
    %broadcast_in_dim3A_486 = vector.shape_cast %get3A_479 : vector<1x128xf32> to vector<1x128xf32>
    %broadcast_in_dim3A_487 = vector.broadcast %broadcast_in_dim3A_486 : vector<1x128xf32> to vector<1600x128xf32>
    %mul3A_488 = arith.mulf %tanh3A_336, %broadcast_in_dim3A_487 : vector<1600x128xf32>
    %reduce_sum3A_489 = arith.constant dense<0.000000e+00> : vector<1600xf32>
    %reduce_sum3A_490 = vector.multi_reduction <add>, %mul3A_488, %reduce_sum3A_489 [1] : vector<1600x128xf32> to vector<1600xf32>
    %broadcast_in_dim3A_491 = vector.shape_cast %reduce_sum3A_490 : vector<1600xf32> to vector<1600x1xf32>
    %broadcast_in_dim3A_492 = vector.shape_cast %get3A_479 : vector<1x128xf32> to vector<1x128xf32>
    %broadcast_in_dim3A_493 = vector.broadcast %broadcast_in_dim3A_492 : vector<1x128xf32> to vector<1600x128xf32>
    %mul3A_494 = arith.mulf %tanh3A_361, %broadcast_in_dim3A_493 : vector<1600x128xf32>
    %reduce_sum3A_495 = arith.constant dense<0.000000e+00> : vector<1600xf32>
    %reduce_sum3A_496 = vector.multi_reduction <add>, %mul3A_494, %reduce_sum3A_495 [1] : vector<1600x128xf32> to vector<1600xf32>
    %broadcast_in_dim3A_497 = vector.shape_cast %reduce_sum3A_496 : vector<1600xf32> to vector<1600x1xf32>
    %mul3A_498 = arith.mulf %add3A_472, %broadcast_in_dim3A_485 : vector<1600x1xf32>
    %mul3A_499 = arith.mulf %add3A_474, %broadcast_in_dim3A_491 : vector<1600x1xf32>
    %add3A_500 = arith.addf %mul3A_498, %mul3A_499 : vector<1600x1xf32>
    %mul3A_501 = arith.mulf %add3A_476, %broadcast_in_dim3A_497 : vector<1600x1xf32>
    %add3A_502 = arith.addf %add3A_500, %mul3A_501 : vector<1600x1xf32>
    %get3A_503 = arith.constant 0 : index
    %get3A_504 = arith.constant 0 : index
    %get3A_505 = vector.load %arg49[%get3A_503, %get3A_504] : memref<1x1xf32, #tpu.memory_space<vmem>>, vector<1x1xf32>
    %add3A_506 = vector.broadcast %get3A_505 : vector<1x1xf32> to vector<1600x1xf32>
    %add3A_507 = arith.addf %add3A_502, %add3A_506 : vector<1600x1xf32>
    %iota3A_508 = tpu.iota {dimensions = array<i32: 0>} : vector<32x1600xi32>
    %iota3A_509 = tpu.iota {dimensions = array<i32: 1>} : vector<32x1600xi32>
    %jit3A_510 = arith.constant 50 : i32
    %div3A_511 = vector.broadcast %jit3A_510 : i32 to vector<32x1600xi32>
    %div3A_512 = arith.divsi %iota3A_509, %div3A_511 : vector<32x1600xi32>
    %sign3A_513 = arith.constant 0 : i32
    %sign3A_514 = vector.broadcast %sign3A_513 : i32 to vector<32x1600xi32>
    %sign3A_515 = arith.cmpi sgt, %iota3A_509, %sign3A_514 : vector<32x1600xi32>
    %sign3A_516 = arith.extui %sign3A_515 : vector<32x1600xi1> to vector<32x1600xi32>
    %sign3A_517 = arith.constant 0 : i32
    %sign3A_518 = vector.broadcast %sign3A_517 : i32 to vector<32x1600xi32>
    %sign3A_519 = arith.cmpi slt, %iota3A_509, %sign3A_518 : vector<32x1600xi32>
    %sign3A_520 = arith.extui %sign3A_519 : vector<32x1600xi1> to vector<32x1600xi32>
    %sign3A_521 = arith.subi %sign3A_516, %sign3A_520 : vector<32x1600xi32>
    %sign3A_522 = arith.constant 0 : i32
    %sign3A_523 = arith.cmpi sgt, %jit3A_510, %sign3A_522 : i32
    %sign3A_524 = arith.extui %sign3A_523 : i1 to i32
    %sign3A_525 = arith.constant 0 : i32
    %sign3A_526 = arith.cmpi slt, %jit3A_510, %sign3A_525 : i32
    %sign3A_527 = arith.extui %sign3A_526 : i1 to i32
    %sign3A_528 = arith.subi %sign3A_524, %sign3A_527 : i32
    %ne3A_529 = vector.broadcast %sign3A_528 : i32 to vector<32x1600xi32>
    %ne3A_530 = arith.cmpi ne, %sign3A_521, %ne3A_529 : vector<32x1600xi32>
    %rem3A_531 = vector.broadcast %jit3A_510 : i32 to vector<32x1600xi32>
    %rem3A_532 = arith.remsi %iota3A_509, %rem3A_531 : vector<32x1600xi32>
    %ne3A_533 = arith.constant 0 : i32
    %ne3A_534 = vector.broadcast %ne3A_533 : i32 to vector<32x1600xi32>
    %ne3A_535 = arith.cmpi ne, %rem3A_532, %ne3A_534 : vector<32x1600xi32>
    %and3A_536 = arith.andi %ne3A_530, %ne3A_535 : vector<32x1600xi1>
    %sub3A_537 = arith.constant 1 : i32
    %sub3A_538 = vector.broadcast %sub3A_537 : i32 to vector<32x1600xi32>
    %sub3A_539 = arith.subi %div3A_512, %sub3A_538 : vector<32x1600xi32>
    %select_n3A_540 = arith.select %and3A_536, %sub3A_539, %div3A_512 : vector<32x1600xi1>, vector<32x1600xi32>
    %eq3A_541 = arith.cmpi eq, %select_n3A_540, %iota3A_508 : vector<32x1600xi32>
    %convert_element_type3A_542 = arith.extui %eq3A_541 : vector<32x1600xi1> to vector<32x1600xi32>
    %convert_element_type3A_543 = arith.sitofp %convert_element_type3A_542 : vector<32x1600xi32> to vector<32x1600xf32>
    %iota3A_544 = tpu.iota {dimensions = array<i32: 0>} : vector<1600x50xi32>
    %jit3A_545 = arith.constant 50 : i32
    %eq3A_546 = arith.constant 0 : i32
    %eq3A_547 = arith.cmpi eq, %jit3A_545, %eq3A_546 : i32
    %jit3A_548 = arith.constant 1 : i32
    %select_n3A_549 = arith.select %eq3A_547, %jit3A_548, %jit3A_545 : i32
    %rem3A_550 = vector.broadcast %select_n3A_549 : i32 to vector<1600x50xi32>
    %rem3A_551 = arith.remsi %iota3A_544, %rem3A_550 : vector<1600x50xi32>
    %ne3A_552 = arith.constant 0 : i32
    %ne3A_553 = vector.broadcast %ne3A_552 : i32 to vector<1600x50xi32>
    %ne3A_554 = arith.cmpi ne, %rem3A_551, %ne3A_553 : vector<1600x50xi32>
    %lt3A = arith.constant 0 : i32
    %lt3A_555 = vector.broadcast %lt3A : i32 to vector<1600x50xi32>
    %lt3A_556 = arith.cmpi slt, %rem3A_551, %lt3A_555 : vector<1600x50xi32>
    %lt3A_557 = arith.constant 0 : i32
    %lt3A_558 = arith.cmpi slt, %select_n3A_549, %lt3A_557 : i32
    %ne3A_559 = vector.broadcast %lt3A_558 : i1 to vector<1600x50xi1>
    %ne3A_560 = vector.broadcast %ne3A_559 : vector<1600x50xi1> to vector<1600x50xi1>
    %ne3A_561 = arith.xori %lt3A_556, %ne3A_560 : vector<1600x50xi1>
    %and3A_562 = arith.andi %ne3A_561, %ne3A_554 : vector<1600x50xi1>
    %add3A_563 = vector.broadcast %select_n3A_549 : i32 to vector<1600x50xi32>
    %add3A_564 = arith.addi %rem3A_551, %add3A_563 : vector<1600x50xi32>
    %select_n3A_565 = arith.select %and3A_562, %add3A_564, %rem3A_551 : vector<1600x50xi1>, vector<1600x50xi32>
    %iota3A_566 = tpu.iota {dimensions = array<i32: 1>} : vector<1600x50xi32>
    %broadcast_in_dim3A_567 = vector.shape_cast %add3A_507 : vector<1600x1xf32> to vector<1600x1xf32>
    %broadcast_in_dim3A_568 = vector.broadcast %broadcast_in_dim3A_567 : vector<1600x1xf32> to vector<1600x50xf32>
    %eq3A_569 = arith.cmpi eq, %select_n3A_565, %iota3A_566 : vector<1600x50xi32>
    %convert_element_type3A_570 = arith.extui %eq3A_569 : vector<1600x50xi1> to vector<1600x50xi32>
    %convert_element_type3A_571 = arith.sitofp %convert_element_type3A_570 : vector<1600x50xi32> to vector<1600x50xf32>
    %mul3A_572 = arith.mulf %broadcast_in_dim3A_568, %convert_element_type3A_571 : vector<1600x50xf32>
    %dot_general3A_573 = arith.constant dense<0.000000e+00> : vector<32x50xf32>
    %dot_general3A_574 = tpu.matmul %convert_element_type3A_543, %mul3A_572, %dot_general3A_573 {dimension_numbers = #tpu.dot_dimension_numbers<[1], [0], [0], [1], [0, 0, 1, 1], [], []>, transpose_lhs_hint = false} : vector<32x1600xf32>, vector<1600x50xf32>, vector<32x50xf32> -> vector<32x50xf32>
    %get3A_575 = arith.constant 0 : index
    %get3A_576 = arith.constant 0 : index
    %get3A_577 = vector.load %arg1[%get3A_575, %get3A_576] : memref<32x50xi32, #tpu.memory_space<vmem>>, vector<32x50xi32>
    %ne3A_578 = arith.constant 0 : i32
    %ne3A_579 = vector.broadcast %ne3A_578 : i32 to vector<32x50xi32>
    %ne3A_580 = arith.cmpi ne, %get3A_577, %ne3A_579 : vector<32x50xi32>
    %convert_element_type3A_581 = arith.extui %ne3A_580 : vector<32x50xi1> to vector<32x50xi32>
    %convert_element_type3A_582 = arith.sitofp %convert_element_type3A_581 : vector<32x50xi32> to vector<32x50xf32>
    %mul3A_583 = arith.mulf %dot_general3A_574, %convert_element_type3A_582 : vector<32x50xf32>
    %reduce_max3A = arith.constant dense<0xFF800000> : vector<32xf32>
    %reduce_max3A_584 = vector.multi_reduction <maximumf>, %mul3A_583, %reduce_max3A [1] : vector<32x50xf32> to vector<32xf32>
    %broadcast_in_dim3A_585 = vector.shape_cast %reduce_max3A_584 : vector<32xf32> to vector<32x1xf32>
    %sub3A_586 = vector.broadcast %broadcast_in_dim3A_585 : vector<32x1xf32> to vector<32x50xf32>
    %sub3A_587 = arith.subf %mul3A_583, %sub3A_586 : vector<32x50xf32>
    %exp3A_588 = math.exp %sub3A_587 : vector<32x50xf32>
    %reduce_sum3A_589 = arith.constant dense<0.000000e+00> : vector<32xf32>
    %reduce_sum3A_590 = vector.multi_reduction <add>, %exp3A_588, %reduce_sum3A_589 [1] : vector<32x50xf32> to vector<32xf32>
    %broadcast_in_dim3A_591 = vector.shape_cast %reduce_sum3A_590 : vector<32xf32> to vector<32x1xf32>
    %log3A = math.log %broadcast_in_dim3A_591 : vector<32x1xf32>
    %sub3A_592 = vector.broadcast %broadcast_in_dim3A_585 : vector<32x1xf32> to vector<32x50xf32>
    %sub3A_593 = arith.subf %mul3A_583, %sub3A_592 : vector<32x50xf32>
    %sub3A_594 = vector.broadcast %log3A : vector<32x1xf32> to vector<32x50xf32>
    %sub3A_595 = arith.subf %sub3A_593, %sub3A_594 : vector<32x50xf32>
    %neg3A = arith.constant 0.000000e+00 : f32
    %neg3A_596 = vector.broadcast %neg3A : f32 to vector<32x50xf32>
    %neg3A_597 = arith.subf %neg3A_596, %sub3A_595 : vector<32x50xf32>
    %get3A_598 = arith.constant 0 : index
    %get3A_599 = arith.constant 0 : index
    %get3A_600 = vector.load %arg2[%get3A_598, %get3A_599] : memref<32x50xi32, #tpu.memory_space<vmem>>, vector<32x50xi32>
    %convert_element_type3A_601 = arith.sitofp %get3A_600 : vector<32x50xi32> to vector<32x50xf32>
    %mul3A_602 = arith.mulf %neg3A_597, %convert_element_type3A_601 : vector<32x50xf32>
    %mul3A_603 = arith.mulf %mul3A_602, %convert_element_type3A_582 : vector<32x50xf32>
    %reduce_sum3A_604 = vector.shape_cast %mul3A_603 : vector<32x50xf32> to vector<1x32x50xf32>
    %reduce_sum3A_605 = arith.constant dense<0.000000e+00> : vector<1xf32>
    %reduce_sum3A_606 = vector.multi_reduction <add>, %reduce_sum3A_604, %reduce_sum3A_605 [1, 2] : vector<1x32x50xf32> to vector<1xf32>
    %reduce_sum3A_607 = vector.shape_cast %reduce_sum3A_606 : vector<1xf32> to vector<1x1x1xf32>
    %reduce_sum3A_608 = vector.extract %reduce_sum3A_607[0, 0, 0] : f32 from vector<1x1x1xf32>
    %mul3A_609 = arith.constant 9.765625E-4 : f32
    %mul3A_610 = arith.mulf %reduce_sum3A_608, %mul3A_609 : f32
    %eq3A_611 = arith.constant 0 : i32
    %eq3A_612 = arith.cmpi eq, %arg0, %eq3A_611 : i32
    %convert_element_type3A_613 = arith.extui %eq3A_612 : i1 to i32
    %cond3A = arith.constant 0 : i32
    %cond3A_614 = arith.cmpi ne, %convert_element_type3A_613, %cond3A : i32
    scf.if %cond3A_614 {
      %broadcast_in_dim3A_621 = arith.constant 0.000000e+00 : f32
      %broadcast_in_dim3A_622 = vector.broadcast %broadcast_in_dim3A_621 : f32 to vector<1x1xf32>
      %swap3A_623 = arith.constant 0 : index
      %swap3A_624 = arith.constant 0 : index
      %swap3A_625 = vector.load %arg50[%swap3A_623, %swap3A_624] : memref<1x1xf32, #tpu.memory_space<vmem>>, vector<1x1xf32>
      tpu.vector_store %arg50[%swap3A_623, %swap3A_624], %broadcast_in_dim3A_622 {strides = array<i32>} : memref<1x1xf32, #tpu.memory_space<vmem>>, vector<1x1xf32>,
    } else {
    }
    %get3A_615 = arith.constant 0 : index
    %get3A_616 = arith.constant 0 : index
    %get3A_617 = vector.load %arg50[%get3A_615, %get3A_616] : memref<1x1xf32, #tpu.memory_space<vmem>>, vector<1x1xf32>
    %reshape3A = vector.broadcast %mul3A_610 : f32 to vector<1x1xf32>
    %add3A_618 = arith.addf %get3A_617, %reshape3A : vector<1x1xf32>
    %swap3A = arith.constant 0 : index
    %swap3A_619 = arith.constant 0 : index
    %swap3A_620 = vector.load %arg50[%swap3A, %swap3A_619] : memref<1x1xf32, #tpu.memory_space<vmem>>, vector<1x1xf32>
    tpu.vector_store %arg50[%swap3A, %swap3A_619], %add3A_618 {strides = array<i32>} : memref<1x1xf32, #tpu.memory_space<vmem>>, vector<1x1xf32>,
    return
  }
  func.func @transform_0(%arg0: i32) -> (i32, i32) {
    %c0_i32 = arith.constant 0 : i32
    %c0_i32_0 = arith.constant 0 : i32
    return %arg0, %c0_i32 : i32, i32
  }
  func.func @transform_1(%arg0: i32) -> (i32, i32) {
    %c0_i32 = arith.constant 0 : i32
    %c0_i32_0 = arith.constant 0 : i32
    return %arg0, %c0_i32 : i32, i32
  }
  func.func @transform_2(%arg0: i32) -> (i32, i32) {
    %c0_i32 = arith.constant 0 : i32
    %c0_i32_0 = arith.constant 0 : i32
    return %arg0, %c0_i32 : i32, i32
  }
  func.func @transform_3(%arg0: i32) -> (i32, i32) {
    %c0_i32 = arith.constant 0 : i32
    %c0_i32_0 = arith.constant 0 : i32
    return %arg0, %c0_i32 : i32, i32
  }
  func.func @transform_4(%arg0: i32) -> (i32, i32) {
    %c0_i32 = arith.constant 0 : i32
    %c0_i32_0 = arith.constant 0 : i32
    return %arg0, %c0_i32 : i32, i32
  }
  func.func @transform_5(%arg0: i32) -> (i32, i32) {
    %c0_i32 = arith.constant 0 : i32
    %c0_i32_0 = arith.constant 0 : i32
    return %arg0, %c0_i32 : i32, i32
  }
  func.func @transform_6(%arg0: i32) -> (i32, i32) {
    %c0_i32 = arith.constant 0 : i32
    %c0_i32_0 = arith.constant 0 : i32
    return %arg0, %c0_i32 : i32, i32
  }
  func.func @transform_7(%arg0: i32) -> (i32, i32) {
    %c0_i32 = arith.constant 0 : i32
    %c0_i32_0 = arith.constant 0 : i32
    %c0_i32_1 = arith.constant 0 : i32
    return %c0_i32, %c0_i32_0 : i32, i32
  }
  func.func @transform_8(%arg0: i32) -> (i32, i32) {
    %c0_i32 = arith.constant 0 : i32
    %c0_i32_0 = arith.constant 0 : i32
    %c0_i32_1 = arith.constant 0 : i32
    return %c0_i32, %c0_i32_0 : i32, i32
  }
  func.func @transform_9(%arg0: i32) -> (i32, i32) {
    %c0_i32 = arith.constant 0 : i32
    %c0_i32_0 = arith.constant 0 : i32
    %c0_i32_1 = arith.constant 0 : i32
    return %c0_i32, %c0_i32_0 : i32, i32
  }
  func.func @transform_10(%arg0: i32) -> (i32, i32) {
    %c0_i32 = arith.constant 0 : i32
    %c0_i32_0 = arith.constant 0 : i32
    %c0_i32_1 = arith.constant 0 : i32
    return %c0_i32, %c0_i32_0 : i32, i32
  }
  func.func @transform_11(%arg0: i32) -> (i32, i32) {
    %c0_i32 = arith.constant 0 : i32
    %c0_i32_0 = arith.constant 0 : i32
    return %arg0, %c0_i32 : i32, i32
  }
  func.func @transform_12(%arg0: i32) -> (i32, i32) {
    %c0_i32 = arith.constant 0 : i32
    %c0_i32_0 = arith.constant 0 : i32
    return %arg0, %c0_i32 : i32, i32
  }
  func.func @transform_13(%arg0: i32) -> (i32, i32) {
    %c0_i32 = arith.constant 0 : i32
    %c0_i32_0 = arith.constant 0 : i32
    return %arg0, %c0_i32 : i32, i32
  }
  func.func @transform_14(%arg0: i32) -> (i32, i32) {
    %c0_i32 = arith.constant 0 : i32
    %c0_i32_0 = arith.constant 0 : i32
    return %arg0, %c0_i32 : i32, i32
  }
  func.func @transform_15(%arg0: i32) -> (i32, i32) {
    %c0_i32 = arith.constant 0 : i32
    %c0_i32_0 = arith.constant 0 : i32
    return %arg0, %c0_i32 : i32, i32
  }
  func.func @transform_16(%arg0: i32) -> (i32, i32) {
    %c0_i32 = arith.constant 0 : i32
    %c0_i32_0 = arith.constant 0 : i32
    return %arg0, %c0_i32 : i32, i32
  }
  func.func @transform_17(%arg0: i32) -> (i32, i32) {
    %c0_i32 = arith.constant 0 : i32
    %c0_i32_0 = arith.constant 0 : i32
    return %arg0, %c0_i32 : i32, i32
  }
  func.func @transform_18(%arg0: i32) -> (i32, i32) {
    %c0_i32 = arith.constant 0 : i32
    %c0_i32_0 = arith.constant 0 : i32
    return %arg0, %c0_i32 : i32, i32
  }
  func.func @transform_19(%arg0: i32) -> (i32, i32) {
    %c0_i32 = arith.constant 0 : i32
    %c0_i32_0 = arith.constant 0 : i32
    return %arg0, %c0_i32 : i32, i32
  }
  func.func @transform_20(%arg0: i32) -> (i32, i32) {
    %c0_i32 = arith.constant 0 : i32
    %c0_i32_0 = arith.constant 0 : i32
    return %arg0, %c0_i32 : i32, i32
  }
  func.func @transform_21(%arg0: i32) -> (i32, i32) {
    %c0_i32 = arith.constant 0 : i32
    %c0_i32_0 = arith.constant 0 : i32
    %c0_i32_1 = arith.constant 0 : i32
    return %c0_i32, %c0_i32_0 : i32, i32
  }
  func.func @transform_22(%arg0: i32) -> (i32, i32) {
    %c0_i32 = arith.constant 0 : i32
    %c0_i32_0 = arith.constant 0 : i32
    %c0_i32_1 = arith.constant 0 : i32
    return %c0_i32, %c0_i32_0 : i32, i32
  }
  func.func @transform_23(%arg0: i32) -> (i32, i32) {
    %c0_i32 = arith.constant 0 : i32
    %c0_i32_0 = arith.constant 0 : i32
    %c0_i32_1 = arith.constant 0 : i32
    return %c0_i32, %c0_i32_0 : i32, i32
  }
  func.func @transform_24(%arg0: i32) -> (i32, i32) {
    %c0_i32 = arith.constant 0 : i32
    %c0_i32_0 = arith.constant 0 : i32
    %c0_i32_1 = arith.constant 0 : i32
    return %c0_i32, %c0_i32_0 : i32, i32
  }
  func.func @transform_25(%arg0: i32) -> (i32, i32) {
    %c0_i32 = arith.constant 0 : i32
    %c0_i32_0 = arith.constant 0 : i32
    %c0_i32_1 = arith.constant 0 : i32
    return %c0_i32, %c0_i32_0 : i32, i32
  }
  func.func @transform_26(%arg0: i32) -> (i32, i32) {
    %c0_i32 = arith.constant 0 : i32
    %c0_i32_0 = arith.constant 0 : i32
    %c0_i32_1 = arith.constant 0 : i32
    return %c0_i32, %c0_i32_0 : i32, i32
  }
  func.func @transform_27(%arg0: i32) -> (i32, i32) {
    %c0_i32 = arith.constant 0 : i32
    %c0_i32_0 = arith.constant 0 : i32
    %c0_i32_1 = arith.constant 0 : i32
    return %c0_i32, %c0_i32_0 : i32, i32
  }
  func.func @transform_28(%arg0: i32) -> (i32, i32) {
    %c0_i32 = arith.constant 0 : i32
    %c0_i32_0 = arith.constant 0 : i32
    %c0_i32_1 = arith.constant 0 : i32
    return %c0_i32, %c0_i32_0 : i32, i32
  }
  func.func @transform_29(%arg0: i32) -> (i32, i32) {
    %c0_i32 = arith.constant 0 : i32
    %c0_i32_0 = arith.constant 0 : i32
    %c0_i32_1 = arith.constant 0 : i32
    return %c0_i32, %c0_i32_0 : i32, i32
  }
  func.func @transform_30(%arg0: i32) -> (i32, i32) {
    %c0_i32 = arith.constant 0 : i32
    %c0_i32_0 = arith.constant 0 : i32
    %c0_i32_1 = arith.constant 0 : i32
    return %c0_i32, %c0_i32_0 : i32, i32
  }
  func.func @transform_31(%arg0: i32) -> (i32, i32) {
    %c0_i32 = arith.constant 0 : i32
    %c0_i32_0 = arith.constant 0 : i32
    %c0_i32_1 = arith.constant 0 : i32
    return %c0_i32, %c0_i32_0 : i32, i32
  }
  func.func @transform_32(%arg0: i32) -> (i32, i32) {
    %c0_i32 = arith.constant 0 : i32
    %c0_i32_0 = arith.constant 0 : i32
    %c0_i32_1 = arith.constant 0 : i32
    return %c0_i32, %c0_i32_0 : i32, i32
  }
  func.func @transform_33(%arg0: i32) -> (i32, i32) {
    %c0_i32 = arith.constant 0 : i32
    %c0_i32_0 = arith.constant 0 : i32
    %c0_i32_1 = arith.constant 0 : i32
    return %c0_i32, %c0_i32_0 : i32, i32
  }
  func.func @transform_34(%arg0: i32) -> (i32, i32) {
    %c0_i32 = arith.constant 0 : i32
    %c0_i32_0 = arith.constant 0 : i32
    %c0_i32_1 = arith.constant 0 : i32
    return %c0_i32, %c0_i32_0 : i32, i32
  }
  func.func @transform_35(%arg0: i32) -> (i32, i32) {
    %c0_i32 = arith.constant 0 : i32
    %c0_i32_0 = arith.constant 0 : i32
    %c0_i32_1 = arith.constant 0 : i32
    return %c0_i32, %c0_i32_0 : i32, i32
  }
  func.func @transform_36(%arg0: i32) -> (i32, i32) {
    %c0_i32 = arith.constant 0 : i32
    %c0_i32_0 = arith.constant 0 : i32
    %c0_i32_1 = arith.constant 0 : i32
    return %c0_i32, %c0_i32_0 : i32, i32
  }
  func.func @transform_37(%arg0: i32) -> (i32, i32) {
    %c0_i32 = arith.constant 0 : i32
    %c0_i32_0 = arith.constant 0 : i32
    %c0_i32_1 = arith.constant 0 : i32
    return %c0_i32, %c0_i32_0 : i32, i32
  }
  func.func @transform_38(%arg0: i32) -> (i32, i32) {
    %c0_i32 = arith.constant 0 : i32
    %c0_i32_0 = arith.constant 0 : i32
    %c0_i32_1 = arith.constant 0 : i32
    return %c0_i32, %c0_i32_0 : i32, i32
  }
  func.func @transform_39(%arg0: i32) -> (i32, i32) {
    %c0_i32 = arith.constant 0 : i32
    %c0_i32_0 = arith.constant 0 : i32
    %c0_i32_1 = arith.constant 0 : i32
    return %c0_i32, %c0_i32_0 : i32, i32
  }
  func.func @transform_40(%arg0: i32) -> (i32, i32) {
    %c0_i32 = arith.constant 0 : i32
    %c0_i32_0 = arith.constant 0 : i32
    %c0_i32_1 = arith.constant 0 : i32
    return %c0_i32, %c0_i32_0 : i32, i32
  }
  func.func @transform_41(%arg0: i32) -> (i32, i32) {
    %c0_i32 = arith.constant 0 : i32
    %c0_i32_0 = arith.constant 0 : i32
    %c0_i32_1 = arith.constant 0 : i32
    return %c0_i32, %c0_i32_0 : i32, i32
  }
  func.func @transform_42(%arg0: i32) -> (i32, i32) {
    %c0_i32 = arith.constant 0 : i32
    %c0_i32_0 = arith.constant 0 : i32
    %c0_i32_1 = arith.constant 0 : i32
    return %c0_i32, %c0_i32_0 : i32, i32
  }
  func.func @transform_43(%arg0: i32) -> (i32, i32) {
    %c0_i32 = arith.constant 0 : i32
    %c0_i32_0 = arith.constant 0 : i32
    %c0_i32_1 = arith.constant 0 : i32
    return %c0_i32, %c0_i32_0 : i32, i32
  }
  func.func @transform_44(%arg0: i32) -> (i32, i32) {
    %c0_i32 = arith.constant 0 : i32
    %c0_i32_0 = arith.constant 0 : i32
    %c0_i32_1 = arith.constant 0 : i32
    return %c0_i32, %c0_i32_0 : i32, i32
  }
  func.func @transform_45(%arg0: i32) -> (i32, i32) {
    %c0_i32 = arith.constant 0 : i32
    %c0_i32_0 = arith.constant 0 : i32
    %c0_i32_1 = arith.constant 0 : i32
    return %c0_i32, %c0_i32_0 : i32, i32
  }
  func.func @transform_46(%arg0: i32) -> (i32, i32) {
    %c0_i32 = arith.constant 0 : i32
    %c0_i32_0 = arith.constant 0 : i32
    %c0_i32_1 = arith.constant 0 : i32
    return %c0_i32, %c0_i32_0 : i32, i32
  }
  func.func @transform_47(%arg0: i32) -> (i32, i32) {
    %c0_i32 = arith.constant 0 : i32
    %c0_i32_0 = arith.constant 0 : i32
    %c0_i32_1 = arith.constant 0 : i32
    return %c0_i32, %c0_i32_0 : i32, i32
  }
  func.func @transform_48(%arg0: i32) -> (i32, i32) {
    %c0_i32 = arith.constant 0 : i32
    %c0_i32_0 = arith.constant 0 : i32
    %c0_i32_1 = arith.constant 0 : i32
    return %c0_i32, %c0_i32_0 : i32, i32
  }
  func.func @transform_49(%arg0: i32) -> (i32, i32) {
    %c0_i32 = arith.constant 0 : i32
    %c0_i32_0 = arith.constant 0 : i32
    %c0_i32_1 = arith.constant 0 : i32
    return %c0_i32, %c0_i32_0 : i32, i32
  }
}

</mosaic_0001>

<sc_bundles>
// kernel: kernel.4.cloned.1.call-start
scs
__scs_entry_jumppad:
0x0: {  	(pc) =	sbr.rel $0x88, $3  }
0x1: {  	(tag) =	ssettag $0x0;
	lr =	simm.s32 $0x1  }
0x2: {  	[smem:$0x3F7E] =	sst lr;
	_ =	strace $0xD0000000  }
0x3: {  	_ = 	snop  }
0x4: {  	_ = 	snop  }
0x5: {  	_ = 	snop  }
0x6: {  	_ = 	snop  }
0x7: {  	_ = 	snop  }
__scs_overlays_trampoline_lowered:
0x8: {  	[smem:$0x3F8D] =	sst s0  }
0x9: {  	[smem:$0x3F8E] =	sst s1  }
0xa: {  	[smem:$0x3F8F] =	sst s2  }
0xb: {  	[smem:$0x3F90] =	sst s3  }
0xc: {  	[smem:$0x3F91] =	sst s4  }
0xd: {  	[smem:$0x3F92] =	sst s5  }
0xe: {  	[smem:$0x3F93] =	sst s6  }
0xf: {  	[smem:$0x3F94] =	sst s7  }
0x10: {  	[smem:$0x3F95] =	sst s8  }
0x11: {  	[smem:$0x3F96] =	sst s9;
	s0 =	simm.s32 @!p0 $0x0  }
0x12: {  	s1 =	sld [smem:$0x3F7C];
	s0 =	simm.s32 @p0 $0x1  }
0x13: {  	[smem:$0x3F97] =	sst s0;
	s0 =	simm.s32 @!p1 $0x0  }
0x14: {  	s2 =	sld [smem:$0x3F7B];
	s0 =	simm.s32 @p1 $0x1  }
0x15: {  	[smem:$0x3F98] =	sst s0;
	s0 =	simm.s32 @!p2 $0x0  }
0x16: {  	s3 =	sld [smem:$0x3FDB];
	s0 =	simm.s32 @p2 $0x1  }
0x17: {  	s4 =	simm.s32 $0x1BF5;
	[smem:$0x3F9A] =	sst s0  }
0x18: {  	s0 =	sld [smem:$0x3F7D];
	_ =	swait.ge [sflag:s4], $0x0  }
0x19: {  	s7 =	sld [smem:$0x3F7E]  }
0x1a: {  	s8 =	sadd.s32 $0xFFFFE003, lr  }
0x1b: {  	s9 =	sadd.s32 $0xFFFFFEF7, lr;
	s5 =	simm.s32 $0xFFFFFFFF;
	p2 =	slt.u32 s8, $0xFFFFF086  }
0x1c: {  	p1 =	slt.u32 s9, $0xF7A;
	s5 =	simm.s32 @!p2 $0x0  }
0x1d: {  	s5 =	simm.s32 @p1 $0x1;
	p0 =	seq.s32 s7, s2  }
0x1e: {  	s7 =	smul.u32 @!p0 $0xF7A, s2;
	p2 =	seq.s32 @!p0 s5, $0x0  }
0x1f: {  	s9 =	smul.u32 $0xF7A, s1;
	s8 =	simm.s32 @!p0 $0x1BF5;
	p2 =	por !p2, p0  }
0x20: {  	[sflag:s8] =	ssyncset.s32 @!p0 $0xFFFFF086;
	s6 =	sadd.s32 @!p0 s3, s7;
	s7 =	simm.s32 @!p0 $0x108  }
0x21: {  	s3 =	sadd.s32 s3, s9;
	s6 =	sadd.s32 @!p0 $0x88, s6;
	s7 =	simm.s32 @p2 $0x1082  }
0x22: {  	[simem:s7], [sflag:s8] =	dma.local @!p0 [hbm:s6], $0xF7A  }
0x23: {  	s9 =	sor.u32 $0xD0000000, s2;
	s6 =	simm.s32 $0x108;
	_ =	swait.ge @!p0 [sflag:s8], $0x0  }
0x24: {  	s3 =	sadd.s32 $0x88, s3;
	s6 =	simm.s32 @!p1 $0x1082;
	[sflag:s4] =	ssyncset.s32 $0xFFFFF086  }
0x25: {  	[simem:s6], [sflag:s4] =	dma.local [hbm:s3], $0xF7A  }
0x26: {  	[smem:$0x3F7E] =	sst s1;
	(tag) =	ssettag s2;
	_ =	strace s9  }
0x27: {  	s1 =	sld [smem:$0x3F8E]  }
0x28: {  	s2 =	sld [smem:$0x3F8F]  }
0x29: {  	s4 =	sld [smem:$0x3F91]  }
0x2a: {  	p0 =	seq.s32 s5, $0x0;
	s5 =	sld [smem:$0x3F92]  }
0x2b: {  	s6 =	sld [smem:$0x3F93]  }
0x2c: {  	s7 =	sld [smem:$0x3F94]  }
0x2d: {  	s3 =	simm.s32 $0x108;
	s8 =	sld [smem:$0x3F95]  }
0x2e: {  	s3 =	simm.s32 @!p0 $0x1082;
	s9 =	sld [smem:$0x3F96]  }
0x2f: {  	lr =	sadd.s32 s0, s3;
	s0 =	sld [smem:$0x3F8D]  }
0x30: {  	s3 =	sld [smem:$0x3F90]  }
0x31: {  	[smem:$0x3F99] =	sst s10  }
0x32: {  	s10 =	sld [smem:$0x3F97];
	_ =	sdelay $0x3  }
0x33: {  	p0 =	seq.s32 s10, $0x1;
	s10 =	sld [smem:$0x3F99];
	_ =	sdelay $0x3  }
0x34: {  	[smem:$0x3F99] =	sst s10  }
0x35: {  	s10 =	sld [smem:$0x3F98];
	_ =	sdelay $0x3  }
0x36: {  	p1 =	seq.s32 s10, $0x1;
	s10 =	sld [smem:$0x3F99];
	_ =	sdelay $0x3  }
0x37: {  	[smem:$0x3F99] =	sst s10  }
0x38: {  	s10 =	sld [smem:$0x3F9A]  }
0x39: {  	_ = 	snop;
	(pc) =	sbr.ind lr, $3  }
0x3a: {  	_ = 	snop  }
0x3b: {  	_ = 	snop  }
0x3c: {  	p2 =	seq.s32 s10, $0x1;
	s10 =	sld [smem:$0x3F99]  }
0x3d: {  	_ =	shalt  }
0x3e: {  	_ =	shalt  }
0x3f: {  	_ =	shalt  }
0x40: {  	_ =	shalt  }
0x41: {  	_ =	shalt  }
0x42: {  	_ =	shalt  }
0x43: {  	_ =	shalt  }
0x44: {  	_ =	shalt  }
0x45: {  	_ =	shalt  }
0x46: {  	_ =	shalt  }
0x47: {  	_ =	shalt  }
0x48: {  	_ =	shalt  }
0x49: {  	_ =	shalt  }
0x4a: {  	_ =	shalt  }
0x4b: {  	_ =	shalt  }
0x4c: {  	_ =	shalt  }
0x4d: {  	_ =	shalt  }
0x4e: {  	_ =	shalt  }
0x4f: {  	_ =	shalt  }
0x50: {  	_ =	shalt  }
0x51: {  	_ =	shalt  }
0x52: {  	_ =	shalt  }
0x53: {  	_ =	shalt  }
0x54: {  	_ =	shalt  }
0x55: {  	_ =	shalt  }
0x56: {  	_ =	shalt  }
0x57: {  	_ =	shalt  }
0x58: {  	_ =	shalt  }
0x59: {  	_ =	shalt  }
0x5a: {  	_ =	shalt  }
0x5b: {  	_ =	shalt  }
0x5c: {  	_ =	shalt  }
0x5d: {  	_ =	shalt  }
0x5e: {  	_ =	shalt  }
0x5f: {  	_ =	shalt  }
0x60: {  	_ =	shalt  }
0x61: {  	_ =	shalt  }
0x62: {  	_ =	shalt  }
0x63: {  	_ =	shalt  }
0x64: {  	_ =	shalt  }
0x65: {  	_ =	shalt  }
0x66: {  	_ =	shalt  }
0x67: {  	_ =	shalt  }
0x68: {  	_ =	shalt  }
0x69: {  	_ =	shalt  }
0x6a: {  	_ =	shalt  }
0x6b: {  	_ =	shalt  }
0x6c: {  	_ =	shalt  }
0x6d: {  	_ =	shalt  }
0x6e: {  	_ =	shalt  }
0x6f: {  	_ =	shalt  }
0x70: {  	_ =	shalt  }
0x71: {  	_ =	shalt  }
0x72: {  	_ =	shalt  }
0x73: {  	_ =	shalt  }
0x74: {  	_ =	shalt  }
0x75: {  	_ =	shalt  }
0x76: {  	_ =	shalt  }
0x77: {  	_ =	shalt  }
0x78: {  	_ =	shalt  }
0x79: {  	_ =	shalt  }
0x7a: {  	_ =	shalt  }
0x7b: {  	_ =	shalt  }
0x7c: {  	_ =	shalt  }
0x7d: {  	_ =	shalt  }
0x7e: {  	_ =	shalt  }
0x7f: {  	_ =	shalt  }
0x80: {  	_ =	shalt  }
0x81: {  	_ =	shalt  }
0x82: {  	_ =	shalt  }
0x83: {  	_ =	shalt  }
0x84: {  	_ =	shalt  }
0x85: {  	_ =	shalt  }
0x86: {  	_ =	shalt  }
0x87: {  	_ =	shalt  }
.Lfunc_end0:
.L_simem_size_0:
called_computation_lowered:
.L_overlay_start_0:
0x88: {  	s2 =	sld [smem:$0x3FD9]  }
0x89: {  	s3 =	sld [smem:$0x3FFE];
	_ =	sdelay $0x1  }
0x8a: {  	s1 =	srdreg.scid  }
0x8b: {  	s0 =	sand.u32 $0x1, s1  }
0x8c: {  	s17 =	sshll.u32 s0, $0xA;
	s2 =	sadd.s32 s3, s2  }
0x8d: {  	s2 =	sadd.s32 s2, s17  }
0x8e: {  	[smem:$0x3FA5] =	sst s2  }
0x8f: {  	_ = 	snop  }
0x90: {  	s2 =	sld [smem:$0x3FD0];
	(tm) =	ssettm $0x1  }
0x91: {  	s18 =	sld [smem:$0x3FFB];
	_ =	sdelay $0x3  }
0x92: {  	_ =	strace s18  }
0x93: {  	s3 =	sld [smem:$0x3FFC];
	_ =	sdelay $0x3  }
0x94: {  	_ =	strace s3  }
0x95: {  	s3 =	sld [smem:$0x3FFD];
	_ =	sdelay $0x3  }
0x96: {  	_ =	strace s3  }
0x97: {  	_ =	strace $0x8FFFFFFF  }
0x98: {  	s19 =	sld [smem:$0x3FDB];
	_ =	sdelay $0x1  }
0x99: {  	s4 =	simm.s32 $_scs_section_size  }
0x9a: {  	s5 =	simm.s32 $_size__tile_overlayer_lowered;
	s6 =	simm.s32 $_tile_overlayer_lowered  }
0x9b: {  	s22 =	simm.s32 $0x1BFF;
	s21 =	sshll.u32 s6, $0x1;
	s3 =	sadd.s32 s4, s19  }
0x9c: {  	s7 =	simm.s32 $0x0;
	s20 =	sshll.u32 s5, $0x1;
	s5 =	sadd.s32 s21, s3  }
0x9d: {  	[timem:s7], [sflag:s22] =	dma.local [hbm:s5], s20  }
0x9e: {  	_ =	swait.ge [sflag:s22], s20  }
0x9f: {  	s4 =	ssub.s32 $0x0, s20;
	[sflag:s22] =	ssyncset.done $0x0  }
0xa0: {  	[sflag:s22] =	ssyncadd.s32 s4;
	_ =	sdelay $0x1  }
0xa1: {  	s23 =	simm.s32 $0x1B8B  }
0xa2: {  	_ =	swait.ge [sflag:s23], $0x1  }
0xa3: {  	[sflag:s23] =	ssyncset.done $0x0  }
0xa4: {  	s25 =	simm.s32 $0x1B8E;
	s24 =	sld [smem:$0x3FFE];
	[sflag:s23] =	ssyncadd.s32 $0xFFFFFFFF  }
0xa5: {  	s26 =	simm.s32 $execute0_lowered;
	[smem:$0x3FD2] =	sst s25  }
0xa6: {  	s5 =	sshll.u32 s26, $0x1;
	_ =	strace $0x80000046;
	[dreg:$0x1] =	wrdreg $0xFFFFFFFF  }
0xa7: {  	s28 =	simm.s32 $_size_execute0_lowered;
	s3 =	sadd.s32 s3, s5;
	[dreg:$0x0] =	wrdreg $0x0  }
0xa8: {  	s5 =	sshll.u32 s28, $0x1;
	[dreg:$0x2] =	wrdreg s3  }
0xa9: {  	[dreg:$0x3] =	wrdreg s5  }
0xaa: {  	[dreg:$0x4] =	wrdreg $0xC0  }
0xab: {  	_ =	task [dreg:s7], $0x5FFFF  }
0xac: {  	[dreg:$0x1] =	wrdreg $0xFFFFFFFF  }
0xad: {  	[dreg:$0x0] =	wrdreg $0x60  }
0xae: {  	[dreg:$0x2] =	wrdreg s24  }
0xaf: {  	[dreg:$0x3] =	wrdreg s2  }
0xb0: {  	[dreg:$0x4] =	wrdreg $0x9  }
0xb1: {  	_ =	task.clear_ibuf [dreg:s7], $0x5FFFF;
	_ =	strace $0x90000046  }
0xb2: {  	s29 =	simm.s32 $0x9;
	_ =	strace $0x80000048  }
0xb3: {  	_ =	swait.ge [sflag:s29], $0x1  }
0xb4: {  	[sflag:s29] =	ssyncadd.s32 $0xFFFFFFFF  }
0xb5: {  	_ =	strace $0x90000048  }
0xb6: {  	_ =	sfence  }
0xb7: {  	s30 =	sld [smem:$0x0];
	_ =	sdelay $0x2  }
0xb8: {  	s31 =	sshll.u32 s1, $0xD;
	s1 =	sshrl.u32 s1, $0x2  }
0xb9: {  	s3 =	sand.u32 $0x4000, s31;
	s1 =	sadd.s32 s1, s30  }
0xba: {  	s0 =	sor.u32 s3, s0;
	s1 =	sshll.u32 s1, $0x11  }
0xbb: {  	s0 =	sor.u32 s1, s0  }
0xbc: {  	s0 =	sadd.s32 $0x8F2B, s0  }
0xbd: {  	[sflag:s0] =	ssyncadd.remote.s32 $0x1  }
0xbe: {  	_ =	sfence.sel $0xFFFF  }
0xbf: {  	[dreg:$0x0] =	wrdreg $0xFFFFFFFF;
	(pc) =	sbr.abs _section_cstart, $3  }
0xc0: {  	[dreg:$0x1] =	wrdreg $0xFFFFFFFF  }
0xc1: {  	_ =	task.clear_ibuf [dreg:s7], $0x2FFFF;
	_ =	strace $0x9FFFFFFF  }
0xc2: {  	(tm) =	ssettm $0x7FFFFFFF  }
0xc3: {  	_ =	shalt  }
tec
execute0_lowered:
.L_overlay_start_1:
0x0: {  	(tag) =	ssettag $0x1  }
0x1: {  	s0 =	rddreg [dreg:$0x0]  }
0x2: {  	s1 =	rddreg [dreg:$0x1]  }
0x3: {  	s2 =	simm.s32 $0x0;
	[dreg:$0x4] =	wrdreg s1  }
0x4: {  	[smem:$0x7FF] =	sst s2;
	s4 =	sadd.s32 $0x132600, s0  }
0x5: {  	s15 =	sadd.s32 $0x132400, s0;
	_ =	strace $0x80000047;
	[dreg:$0x3] =	wrdreg s4  }
0x6: {  	s3 =	srdreg.scid;
	s16 =	sadd.s32 $0x131E00, s0;
	[dreg:$0x5] =	wrdreg s15  }
0x7: {  	s13 =	stileid.u32;
	s17 =	sadd.s32 $0x131C00, s0;
	[dreg:$0x6] =	wrdreg s16  }
0x8: {  	s6 =	sand.u32 $0x1, s3;
	s18 =	sadd.s32 $0x130C00, s0;
	[dreg:$0x7] =	wrdreg s17  }
0x9: {  	s14 =	sshll.u32 s13, $0x1;
	s19 =	sadd.s32 $0x132800, s0;
	[dreg:$0x8] =	wrdreg s18  }
0xa: {  	s3 =	sor.u32 s6, s14;
	[dreg:$0x9] =	wrdreg s19  }
0xb: {  	s4 =	simm.s32 $0x200;
	s8 =	sshll.u32 s3, $0x2;
	s13 =	sshll.u32 s3, $0x6  }
0xc: {  	[smem:$0x7BD] =	sst s4;
	s4 =	simm.s32 $0x82C0;
	s8 =	sadd.s32 s8, s0  }
0xd: {  	s15 =	sadd.s32 s13, s0;
	s13 =	simm.s32 $0x400;
	[smem:$0x7D4] =	sst s4  }
0xe: {  	s23 =	sadd.s32 $0x132000, s8;
	[smem:$0x7C5] =	sst s13  }
0xf: {  	s24 =	sadd.s32 $0x132080, s8;
	[dreg:$0xd] =	wrdreg s23  }
0x10: {  	s25 =	sadd.s32 $0x132100, s8;
	[dreg:$0xe] =	wrdreg s24  }
0x11: {  	s26 =	sadd.s32 $0x132180, s8;
	[dreg:$0xf] =	wrdreg s25  }
0x12: {  	s9 =	sadd.s32 $0x132200, s8;
	[dreg:$0x10] =	wrdreg s26  }
0x13: {  	s10 =	sadd.s32 $0x132280, s8;
	[dreg:$0x11] =	wrdreg s9  }
0x14: {  	s5 =	smul.u32 $0x640, s3;
	s11 =	sadd.s32 $0x132300, s8;
	[dreg:$0x12] =	wrdreg s10  }
0x15: {  	s1 =	smul.u32 $0xC80, s3;
	s17 =	sadd.s32 $0x171200, s15;
	[dreg:$0x13] =	wrdreg s11  }
0x16: {  	s3 =	sshll.u32 s3, $0x7;
	s18 =	sadd.s32 $0x171A00, s15;
	[dreg:$0x17] =	wrdreg s17  }
0x17: {  	s3 =	sadd.s32 s3, s0;
	s19 =	sadd.s32 $0x172200, s15;
	[dreg:$0x18] =	wrdreg s18  }
0x18: {  	s3 =	sadd.s32 $0x174200, s3;
	[dreg:$0x19] =	wrdreg s19  }
0x19: {  	s7 =	sshrl.u32 s5, $0x3;
	s8 =	simm.s32 $0x3AC0;
	[dreg:$0x1d] =	wrdreg s3  }
0x1a: {  	s5 =	sadd.s32 s5, s0;
	s13 =	simm.s32 $0x92C0;
	[smem:$0x7C0] =	sst s8  }
0x1b: {  	s14 =	sadd.s32 $0x14BA00, s5;
	[smem:$0x7DC] =	sst s13  }
0x1c: {  	s23 =	simm.s32 $0x1AC0;
	[dreg:$0x15] =	wrdreg s14  }
0x1d: {  	s24 =	simm.s32 $0x100;
	[dreg:$0x1e] =	wrdreg s23  }
0x1e: {  	s25 =	simm.s32 $0x22C0;
	[dreg:$0x1f] =	wrdreg s24  }
0x1f: {  	s26 =	simm.s32 $0x180;
	[smem:$0x7BA] =	sst s25  }
0x20: {  	s5 =	simm.s32 $0x32C0;
	[smem:$0x7BB] =	sst s26  }
0x21: {  	s9 =	simm.s32 $0x300;
	[smem:$0x7BE] =	sst s5  }
0x22: {  	s10 =	simm.s32 $0x42C0;
	[smem:$0x7C1] =	sst s9  }
0x23: {  	s11 =	simm.s32 $0x380;
	[smem:$0x7C2] =	sst s10  }
0x24: {  	s17 =	simm.s32 $0x500;
	[smem:$0x7C3] =	sst s11  }
0x25: {  	s18 =	simm.s32 $0x62C0;
	[smem:$0x7C9] =	sst s17  }
0x26: {  	s19 =	simm.s32 $0x580;
	[smem:$0x7CA] =	sst s18  }
0x27: {  	s8 =	simm.s32 $0x8C0;
	[smem:$0x7CB] =	sst s19  }
0x28: {  	s7 =	sadd.s32 s7, s0;
	s13 =	simm.s32 $0xD0C0;
	[smem:$0x7D7] =	sst s8  }
0x29: {  	s20 =	sadd.s32 $0x12C000, s7;
	[smem:$0x7F0] =	sst s13  }
0x2a: {  	s21 =	sadd.s32 $0x12D900, s7;
	[dreg:$0xa] =	wrdreg s20  }
0x2b: {  	s22 =	sadd.s32 $0x12F200, s7;
	[dreg:$0xb] =	wrdreg s21  }
0x2c: {  	s7 =	sadd.s32 s1, s0;
	s1 =	simm.s32 $0x2AC0;
	[dreg:$0xc] =	wrdreg s22  }
0x2d: {  	s14 =	simm.s32 $0x52C0;
	[smem:$0x7BC] =	sst s1  }
0x2e: {  	s23 =	simm.s32 $0x6C0;
	[smem:$0x7C6] =	sst s14  }
0x2f: {  	s24 =	simm.s32 $0x7AC0;
	[smem:$0x7CF] =	sst s23  }
0x30: {  	s25 =	simm.s32 $0x740;
	[smem:$0x7D0] =	sst s24  }
0x31: {  	s26 =	simm.s32 $0x7EC0;
	[smem:$0x7D1] =	sst s25  }
0x32: {  	s5 =	simm.s32 $0x840;
	[smem:$0x7D2] =	sst s26  }
0x33: {  	s9 =	simm.s32 $0x8AC0;
	[smem:$0x7D5] =	sst s5  }
0x34: {  	s10 =	simm.s32 $0x940;
	[smem:$0x7D8] =	sst s9  }
0x35: {  	s11 =	simm.s32 $0x8EC0;
	[smem:$0x7D9] =	sst s10  }
0x36: {  	s17 =	simm.s32 $0x9AC0;
	[smem:$0x7DA] =	sst s11  }
0x37: {  	s18 =	simm.s32 $0xB40;
	[smem:$0x7E0] =	sst s17  }
0x38: {  	s19 =	simm.s32 $0x9EC0;
	[smem:$0x7E1] =	sst s18  }
0x39: {  	s8 =	simm.s32 $0xC0C0;
	[smem:$0x7E2] =	sst s19  }
0x3a: {  	s12 =	sadd.s32 $0x132A00, s7;
	[smem:$0x7EC] =	sst s8  }
0x3b: {  	s16 =	sadd.s32 $0x158200, s7;
	[dreg:$0x14] =	wrdreg s12  }
0x3c: {  	s20 =	sadd.s32 $0x172A00, s15;
	[dreg:$0x16] =	wrdreg s16  }
0x3d: {  	s21 =	sadd.s32 $0x173200, s15;
	[dreg:$0x1a] =	wrdreg s20  }
0x3e: {  	s22 =	sadd.s32 $0x173A00, s15;
	[dreg:$0x1b] =	wrdreg s21  }
0x3f: {  	s7 =	simm.s32 $0x280;
	[dreg:$0x1c] =	wrdreg s22  }
0x40: {  	s15 =	simm.s32 $0x480;
	[smem:$0x7BF] =	sst s7  }
0x41: {  	s1 =	simm.s32 $0x7C0;
	[smem:$0x7C7] =	sst s15  }
0x42: {  	s14 =	simm.s32 $0xA40;
	[smem:$0x7D3] =	sst s1  }
0x43: {  	s23 =	simm.s32 $0xA6C0;
	[smem:$0x7DD] =	sst s14  }
0x44: {  	s24 =	simm.s32 $0xD00;
	[smem:$0x7E6] =	sst s23  }
0x45: {  	s25 =	simm.s32 $0xB0C0;
	[smem:$0x7E7] =	sst s24  }
0x46: {  	s26 =	simm.s32 $0xD80;
	[smem:$0x7E8] =	sst s25  }
0x47: {  	s10 =	simm.s32 $0xE80;
	[smem:$0x7E9] =	sst s26  }
0x48: {  	s11 =	simm.s32 $0xC8C0;
	[smem:$0x7ED] =	sst s10  }
0x49: {  	s17 =	simm.s32 $0xE0C0;
	[smem:$0x7EE] =	sst s11  }
0x4a: {  	s18 =	simm.s32 $0x1080;
	[smem:$0x7F4] =	sst s17  }
0x4b: {  	s19 =	simm.s32 $0xE8C0;
	[smem:$0x7F5] =	sst s18  }
0x4c: {  	s12 =	simm.s32 $0x4AC0;
	[smem:$0x7F6] =	sst s19  }
0x4d: {  	s16 =	simm.s32 $0x5AC0;
	[smem:$0x7C4] =	sst s12  }
0x4e: {  	s28 =	simm.s32 $0x113A0;
	s20 =	simm.s32 $0x6AC0;
	[smem:$0x7C8] =	sst s16  }
0x4f: {  	s29 =	simm.s32 $0x115A0;
	s21 =	simm.s32 $0x600;
	[smem:$0x7CC] =	sst s20  }
0x50: {  	s30 =	simm.s32 $0x117A0;
	s22 =	simm.s32 $0x72C0;
	[smem:$0x7CD] =	sst s21  }
0x51: {  	s31 =	simm.s32 $0x119A0;
	s7 =	simm.s32 $0x86C0;
	[smem:$0x7CE] =	sst s22  }
0x52: {  	s6 =	ssub.s32 $0x2, s6;
	s15 =	simm.s32 $0x96C0;
	[smem:$0x7D6] =	sst s7  }
0x53: {  	s4 =	sadd.s32 $0x6E00, s0;
	s1 =	simm.s32 $0xB8C0;
	[smem:$0x7DE] =	sst s15  }
0x54: {  	s3 =	sadd.s32 $0x131400, s0;
	s14 =	simm.s32 $0xF80;
	[smem:$0x7EA] =	sst s1  }
0x55: {  	s13 =	simm.s32 $0x10CE0;
	s23 =	simm.s32 $0xF8C0;
	[smem:$0x7F1] =	sst s14  }
0x56: {  	s5 =	sadd.s32 $0xFB200, s0;
	s24 =	simm.s32 $0x1200;
	[smem:$0x7FA] =	sst s23  }
0x57: {  	s9 =	sshrl.u32 s6, $0x1;
	s25 =	simm.s32 $0x100C0;
	[smem:$0x7FB] =	sst s24  }
0x58: {  	s0 =	simm.s32 $0x1;
	s26 =	simm.s32 $0x1280;
	[smem:$0x7FC] =	sst s25  }
0x59: {  	s6 =	ssub.s32 s6, s9;
	s12 =	simm.s32 $0x9C0;
	[smem:$0x7FD] =	sst s26  }
0x5a: {  	s17 =	simm.s32 $0x80;
	s16 =	simm.s32 $0xAC0;
	[smem:$0x7DB] =	sst s12  }
0x5b: {  	s19 =	simm.s32 $0x40;
	s20 =	simm.s32 $0xBC0;
	[smem:$0x7DF] =	sst s16  }
0x5c: {  	s11 =	simm.s32 $0xC80;
	s21 =	simm.s32 $0xA2C0;
	[smem:$0x7E3] =	sst s20  }
0x5d: {  	s18 =	simm.s32 $0x10D60;
	s22 =	simm.s32 $0xC40;
	[smem:$0x7E4] =	sst s21  }
0x5e: {  	s7 =	simm.s32 $0xE00;
	s6 =	smax.u32 s6, $0x1;
	[smem:$0x7E5] =	sst s22  }
0x5f: {  	s15 =	simm.s32 $0xD8C0;
	s23 =	simm.s32 $0x20;
	[smem:$0x7EB] =	sst s7  }
0x60: {  	s25 =	simm.s32 $0x10FA0;
	s12 =	simm.s32 $0xF00;
	[smem:$0x7F2] =	sst s15  }
0x61: {  	s26 =	simm.s32 $0x111A0;
	s16 =	simm.s32 $0x1000;
	[smem:$0x7EF] =	sst s12  }
0x62: {  	s14 =	simm.s32 $0x10D00;
	s20 =	simm.s32 $0x1100;
	[smem:$0x7F3] =	sst s16  }
0x63: {  	s24 =	simm.s32 $0x76C0;
	s21 =	simm.s32 $0xF0C0;
	[smem:$0x7F7] =	sst s20  }
0x64: {  	s7 =	simm.s32 $0x2;
	s22 =	simm.s32 $0x1180;
	[smem:$0x7F8] =	sst s21  }
0x65: {  	s15 =	simm.s32 $0x10D20;
	[smem:$0x7F9] =	sst s22;
	s12 =	simm.s32 $0x10CC0  }
0x66: {  	s16 =	simm.s32 $0x10D40;
	s20 =	simm.s32 $0x10D80;
	s21 =	simm.s32 $0x12C0  }
.LBB2_1:
0x67: {  	s1 =	rddreg [dreg:$0xa]  }
0x68: {  	[tilespmem:s2], [sflag:$0x2] =	stream.linear.gather [hbm4b:s1+s2], $0x640, $0x38;
	[tilespmem:$0x11DA0] =	vst v63  }
0x69: {  	_ =	swait.ge [sflag:s7], $0x640  }
0x6a: {  	[sflag:s7] =	ssyncset.done $0x0  }
0x6b: {  	s10 =	simm.s32 $0x640;
	s9 =	rddreg [dreg:$0xb];
	[sflag:s7] =	ssyncadd.s32 $0xFFFFF9C0  }
0x6c: {  	[tilespmem:s10], [sflag:$0x2] =	stream.linear.gather [hbm4b:s9+s2], $0x640, $0x38;
	[tilespmem:$0x11DA0] =	vst v63  }
0x6d: {  	_ =	swait.ge [sflag:s7], $0x640  }
0x6e: {  	[sflag:s7] =	ssyncset.done $0x0  }
0x6f: {  	s22 =	rddreg [dreg:$0xc];
	[sflag:s7] =	ssyncadd.s32 $0xFFFFF9C0  }
0x70: {  	[tilespmem:s11], [sflag:$0x2] =	stream.linear.gather [hbm4b:s22+s2], $0x640, $0x38;
	[tilespmem:$0x11DA0] =	vst v63  }
0x71: {  	_ =	swait.ge [sflag:s7], $0x640  }
0x72: {  	[sflag:s7] =	ssyncset.done $0x0  }
0x73: {  	s8 =	rddreg [dreg:$0xd];
	[sflag:s7] =	ssyncadd.s32 $0xFFFFF9C0  }
0x74: {  	[tilespmem:s12], [sflag:$0x2] =	stream.linear.gather [hbm4b:s8+s2], $0x20, $0x38;
	[tilespmem:$0x11DA0] =	vst v63  }
0x75: {  	_ =	swait.ge [sflag:s7], $0x20  }
0x76: {  	[sflag:s7] =	ssyncset.done $0x0  }
0x77: {  	s9 =	rddreg [dreg:$0xe];
	[sflag:s7] =	ssyncadd.s32 $0xFFFFFFE0  }
0x78: {  	[tilespmem:s13], [sflag:$0x2] =	stream.linear.gather [hbm4b:s9+s2], $0x20, $0x38;
	[tilespmem:$0x11DA0] =	vst v63  }
0x79: {  	_ =	swait.ge [sflag:s7], $0x20  }
0x7a: {  	[sflag:s7] =	ssyncset.done $0x0  }
0x7b: {  	s22 =	rddreg [dreg:$0xf];
	[sflag:s7] =	ssyncadd.s32 $0xFFFFFFE0  }
0x7c: {  	[tilespmem:s14], [sflag:$0x2] =	stream.linear.gather [hbm4b:s22+s2], $0x20, $0x38;
	[tilespmem:$0x11DA0] =	vst v63  }
0x7d: {  	_ =	swait.ge [sflag:s7], $0x20  }
0x7e: {  	[sflag:s7] =	ssyncset.done $0x0  }
0x7f: {  	s8 =	rddreg [dreg:$0x10];
	[sflag:s7] =	ssyncadd.s32 $0xFFFFFFE0  }
0x80: {  	[tilespmem:s15], [sflag:$0x2] =	stream.linear.gather [hbm4b:s8+s2], $0x20, $0x38;
	[tilespmem:$0x11DA0] =	vst v63  }
0x81: {  	_ =	swait.ge [sflag:s7], $0x20  }
0x82: {  	[sflag:s7] =	ssyncset.done $0x0  }
0x83: {  	s9 =	rddreg [dreg:$0x11];
	[sflag:s7] =	ssyncadd.s32 $0xFFFFFFE0  }
0x84: {  	[tilespmem:s16], [sflag:$0x2] =	stream.linear.gather [hbm4b:s9+s2], $0x20, $0x38;
	[tilespmem:$0x11DA0] =	vst v63  }
0x85: {  	_ =	swait.ge [sflag:s7], $0x20  }
0x86: {  	[sflag:s7] =	ssyncset.done $0x0  }
0x87: {  	s22 =	rddreg [dreg:$0x12];
	[sflag:s7] =	ssyncadd.s32 $0xFFFFFFE0  }
0x88: {  	[tilespmem:s18], [sflag:$0x2] =	stream.linear.gather [hbm4b:s22+s2], $0x20, $0x38;
	[tilespmem:$0x11DA0] =	vst v63  }
0x89: {  	_ =	swait.ge [sflag:s7], $0x20  }
0x8a: {  	[sflag:s7] =	ssyncset.done $0x0  }
0x8b: {  	s8 =	rddreg [dreg:$0x13];
	[sflag:s7] =	ssyncadd.s32 $0xFFFFFFE0  }
0x8c: {  	[tilespmem:s20], [sflag:$0x2] =	stream.linear.gather [hbm4b:s8+s2], $0x20, $0x38;
	[tilespmem:$0x11DA0] =	vst v63  }
0x8d: {  	_ =	swait.ge [sflag:s7], $0x20  }
0x8e: {  	[sflag:s7] =	ssyncset.done $0x0;
	s9 =	rddreg [dreg:$0x1e]  }
0x8f: {  	s22 =	rddreg [dreg:$0x1f];
	[sflag:s7] =	ssyncadd.s32 $0xFFFFFFE0  }
0x90: {  	[tilespmem:s21], [sflag:$0x1] =	stream.indirect.gather [hbm4b:s3+s17], $0xA, s2, s17, $0xb8;
	[tilespmem:$0x11DA0] =	vst v63  }
0x91: {  	s8 =	sld [smem:$0x7BA]  }
0x92: {  	[tilespmem:s9], [sflag:$0x1] =	stream.indirect.gather [hbm4b:s3+s17], $0xA, s17, s17, $0xb8;
	[tilespmem:$0x11DA0] =	vst v63  }
0x93: {  	s1 =	sld [smem:$0x7BB]  }
0x94: {  	[tilespmem:s8], [sflag:$0x1] =	stream.indirect.gather [hbm4b:s3+s17], $0xA, s22, s17, $0xb8;
	[tilespmem:$0x11DA0] =	vst v63  }
0x95: {  	s8 =	sld [smem:$0x7BC]  }
0x96: {  	s9 =	sld [smem:$0x7BE]  }
0x97: {  	s22 =	sld [smem:$0x7BD]  }
0x98: {  	[tilespmem:s8], [sflag:$0x1] =	stream.indirect.gather [hbm4b:s3+s17], $0xA, s1, s17, $0xb8;
	[tilespmem:$0x11DA0] =	vst v63  }
0x99: {  	s1 =	sld [smem:$0x7BF]  }
0x9a: {  	s8 =	sld [smem:$0x7C0]  }
0x9b: {  	[tilespmem:s9], [sflag:$0x1] =	stream.indirect.gather [hbm4b:s3+s17], $0xA, s22, s17, $0xb8;
	[tilespmem:$0x11DA0] =	vst v63  }
0x9c: {  	s9 =	sld [smem:$0x7C1]  }
0x9d: {  	s22 =	sld [smem:$0x7C2]  }
0x9e: {  	[tilespmem:s8], [sflag:$0x1] =	stream.indirect.gather [hbm4b:s3+s17], $0xA, s1, s17, $0xb8;
	[tilespmem:$0x11DA0] =	vst v63  }
0x9f: {  	s1 =	sld [smem:$0x7C3]  }
0xa0: {  	s8 =	sld [smem:$0x7C4]  }
0xa1: {  	[tilespmem:s22], [sflag:$0x1] =	stream.indirect.gather [hbm4b:s3+s17], $0xA, s9, s17, $0xb8;
	[tilespmem:$0x11DA0] =	vst v63  }
0xa2: {  	s9 =	sld [smem:$0x7C5]  }
0xa3: {  	s22 =	sld [smem:$0x7C6]  }
0xa4: {  	[tilespmem:s8], [sflag:$0x1] =	stream.indirect.gather [hbm4b:s3+s17], $0xA, s1, s17, $0xb8;
	[tilespmem:$0x11DA0] =	vst v63  }
0xa5: {  	s1 =	sld [smem:$0x7C7]  }
0xa6: {  	s8 =	sld [smem:$0x7C8]  }
0xa7: {  	[tilespmem:s22], [sflag:$0x1] =	stream.indirect.gather [hbm4b:s3+s17], $0xA, s9, s17, $0xb8;
	[tilespmem:$0x11DA0] =	vst v63  }
0xa8: {  	s9 =	sld [smem:$0x7C9]  }
0xa9: {  	s22 =	sld [smem:$0x7CA]  }
0xaa: {  	[tilespmem:s8], [sflag:$0x1] =	stream.indirect.gather [hbm4b:s3+s17], $0xA, s1, s17, $0xb8;
	[tilespmem:$0x11DA0] =	vst v63  }
0xab: {  	s1 =	sld [smem:$0x7CB]  }
0xac: {  	s8 =	sld [smem:$0x7CC]  }
0xad: {  	[tilespmem:s22], [sflag:$0x1] =	stream.indirect.gather [hbm4b:s3+s17], $0xA, s9, s17, $0xb8;
	[tilespmem:$0x11DA0] =	vst v63  }
0xae: {  	s9 =	sld [smem:$0x7CD]  }
0xaf: {  	s22 =	sld [smem:$0x7CE]  }
0xb0: {  	[tilespmem:s8], [sflag:$0x1] =	stream.indirect.gather [hbm4b:s3+s17], $0xA, s1, s17, $0xb8;
	[tilespmem:$0x11DA0] =	vst v63  }
0xb1: {  	s8 =	sld [smem:$0x7CF]  }
0xb2: {  	[tilespmem:s22], [sflag:$0x1] =	stream.indirect.gather [hbm4b:s3+s19], $0xA, s9, s19, $0xb8;
	[tilespmem:$0x11DA0] =	vst v63  }
0xb3: {  	s9 =	sld [smem:$0x7D0]  }
0xb4: {  	s22 =	sld [smem:$0x7D1]  }
0xb5: {  	[tilespmem:s24], [sflag:$0x1] =	stream.indirect.gather [hbm4b:s4+s17], $0x5, s10, s17, $0xb8;
	[tilespmem:$0x11DA0] =	vst v63  }
0xb6: {  	s10 =	sld [smem:$0x7D2]  }
0xb7: {  	[tilespmem:s9], [sflag:$0x1] =	stream.indirect.gather [hbm4b:s4+s17], $0x5, s8, s17, $0xb8;
	[tilespmem:$0x11DA0] =	vst v63  }
0xb8: {  	s8 =	sld [smem:$0x7D3]  }
0xb9: {  	s9 =	sld [smem:$0x7D4]  }
0xba: {  	[tilespmem:s10], [sflag:$0x1] =	stream.indirect.gather [hbm4b:s4+s17], $0x5, s22, s17, $0xb8;
	[tilespmem:$0x11DA0] =	vst v63  }
0xbb: {  	s22 =	sld [smem:$0x7D5]  }
0xbc: {  	s10 =	sld [smem:$0x7D6]  }
0xbd: {  	[tilespmem:s9], [sflag:$0x1] =	stream.indirect.gather [hbm4b:s4+s17], $0x5, s8, s17, $0xb8;
	[tilespmem:$0x11DA0] =	vst v63  }
0xbe: {  	s8 =	sld [smem:$0x7D7]  }
0xbf: {  	s9 =	sld [smem:$0x7D8]  }
0xc0: {  	[tilespmem:s10], [sflag:$0x1] =	stream.indirect.gather [hbm4b:s4+s17], $0x5, s22, s17, $0xb8;
	[tilespmem:$0x11DA0] =	vst v63  }
0xc1: {  	s22 =	sld [smem:$0x7D9]  }
0xc2: {  	s10 =	sld [smem:$0x7DA]  }
0xc3: {  	[tilespmem:s9], [sflag:$0x1] =	stream.indirect.gather [hbm4b:s4+s17], $0x5, s8, s17, $0xb8;
	[tilespmem:$0x11DA0] =	vst v63  }
0xc4: {  	s8 =	sld [smem:$0x7DB]  }
0xc5: {  	s9 =	sld [smem:$0x7DC]  }
0xc6: {  	[tilespmem:s10], [sflag:$0x1] =	stream.indirect.gather [hbm4b:s4+s17], $0x5, s22, s17, $0xb8;
	[tilespmem:$0x11DA0] =	vst v63  }
0xc7: {  	s22 =	sld [smem:$0x7DD]  }
0xc8: {  	s10 =	sld [smem:$0x7DE]  }
0xc9: {  	[tilespmem:s9], [sflag:$0x1] =	stream.indirect.gather [hbm4b:s4+s17], $0x5, s8, s17, $0xb8;
	[tilespmem:$0x11DA0] =	vst v63  }
0xca: {  	s8 =	sld [smem:$0x7DF]  }
0xcb: {  	s9 =	sld [smem:$0x7E0]  }
0xcc: {  	[tilespmem:s10], [sflag:$0x1] =	stream.indirect.gather [hbm4b:s4+s17], $0x5, s22, s17, $0xb8;
	[tilespmem:$0x11DA0] =	vst v63  }
0xcd: {  	s22 =	sld [smem:$0x7E1]  }
0xce: {  	s10 =	sld [smem:$0x7E2]  }
0xcf: {  	[tilespmem:s9], [sflag:$0x1] =	stream.indirect.gather [hbm4b:s4+s17], $0x5, s8, s17, $0xb8;
	[tilespmem:$0x11DA0] =	vst v63  }
0xd0: {  	s8 =	sld [smem:$0x7E3]  }
0xd1: {  	s9 =	sld [smem:$0x7E4]  }
0xd2: {  	[tilespmem:s10], [sflag:$0x1] =	stream.indirect.gather [hbm4b:s4+s17], $0x5, s22, s17, $0xb8;
	[tilespmem:$0x11DA0] =	vst v63  }
0xd3: {  	s22 =	sld [smem:$0x7E5]  }
0xd4: {  	s10 =	sld [smem:$0x7E6]  }
0xd5: {  	[tilespmem:s9], [sflag:$0x1] =	stream.indirect.gather [hbm4b:s4+s17], $0x5, s8, s17, $0xb8;
	[tilespmem:$0x11DA0] =	vst v63  }
0xd6: {  	s8 =	sld [smem:$0x7E7]  }
0xd7: {  	[tilespmem:s10], [sflag:$0x1] =	stream.indirect.gather [hbm4b:s4+s19], $0x5, s22, s19, $0xb8;
	[tilespmem:$0x11DA0] =	vst v63  }
0xd8: {  	s9 =	sld [smem:$0x7E8];
	s10 =	simm.s32 $0xA8C0  }
0xd9: {  	[tilespmem:s10], [sflag:$0x1] =	stream.indirect.gather [hbm4b:s5+s17], $0xA, s11, s17, $0xb8;
	[tilespmem:$0x11DA0] =	vst v63  }
0xda: {  	s1 =	sld [smem:$0x7E9]  }
0xdb: {  	[tilespmem:s9], [sflag:$0x1] =	stream.indirect.gather [hbm4b:s5+s17], $0xA, s8, s17, $0xb8;
	[tilespmem:$0x11DA0] =	vst v63  }
0xdc: {  	s8 =	sld [smem:$0x7EA]  }
0xdd: {  	s22 =	sld [smem:$0x7EC]  }
0xde: {  	s9 =	sld [smem:$0x7EB]  }
0xdf: {  	[tilespmem:s8], [sflag:$0x1] =	stream.indirect.gather [hbm4b:s5+s17], $0xA, s1, s17, $0xb8;
	[tilespmem:$0x11DA0] =	vst v63  }
0xe0: {  	s1 =	sld [smem:$0x7ED]  }
0xe1: {  	s8 =	sld [smem:$0x7EE]  }
0xe2: {  	[tilespmem:s22], [sflag:$0x1] =	stream.indirect.gather [hbm4b:s5+s17], $0xA, s9, s17, $0xb8;
	[tilespmem:$0x11DA0] =	vst v63  }
0xe3: {  	s9 =	sld [smem:$0x7EF]  }
0xe4: {  	s22 =	sld [smem:$0x7F0]  }
0xe5: {  	[tilespmem:s8], [sflag:$0x1] =	stream.indirect.gather [hbm4b:s5+s17], $0xA, s1, s17, $0xb8;
	[tilespmem:$0x11DA0] =	vst v63  }
0xe6: {  	s1 =	sld [smem:$0x7F1]  }
0xe7: {  	s8 =	sld [smem:$0x7F2]  }
0xe8: {  	[tilespmem:s22], [sflag:$0x1] =	stream.indirect.gather [hbm4b:s5+s17], $0xA, s9, s17, $0xb8;
	[tilespmem:$0x11DA0] =	vst v63  }
0xe9: {  	s9 =	sld [smem:$0x7F3]  }
0xea: {  	s22 =	sld [smem:$0x7F4]  }
0xeb: {  	[tilespmem:s8], [sflag:$0x1] =	stream.indirect.gather [hbm4b:s5+s17], $0xA, s1, s17, $0xb8;
	[tilespmem:$0x11DA0] =	vst v63  }
0xec: {  	s1 =	sld [smem:$0x7F5]  }
0xed: {  	s8 =	sld [smem:$0x7F6]  }
0xee: {  	[tilespmem:s22], [sflag:$0x1] =	stream.indirect.gather [hbm4b:s5+s17], $0xA, s9, s17, $0xb8;
	[tilespmem:$0x11DA0] =	vst v63  }
0xef: {  	s9 =	sld [smem:$0x7F7]  }
0xf0: {  	s22 =	sld [smem:$0x7F8]  }
0xf1: {  	[tilespmem:s8], [sflag:$0x1] =	stream.indirect.gather [hbm4b:s5+s17], $0xA, s1, s17, $0xb8;
	[tilespmem:$0x11DA0] =	vst v63  }
0xf2: {  	s1 =	sld [smem:$0x7F9]  }
0xf3: {  	s8 =	sld [smem:$0x7FA]  }
0xf4: {  	[tilespmem:s22], [sflag:$0x1] =	stream.indirect.gather [hbm4b:s5+s17], $0xA, s9, s17, $0xb8;
	[tilespmem:$0x11DA0] =	vst v63  }
0xf5: {  	s9 =	sld [smem:$0x7FB]  }
0xf6: {  	s22 =	sld [smem:$0x7FC]  }
0xf7: {  	[tilespmem:s8], [sflag:$0x1] =	stream.indirect.gather [hbm4b:s5+s17], $0xA, s1, s17, $0xb8;
	[tilespmem:$0x11DA0] =	vst v63  }
0xf8: {  	s1 =	sld [smem:$0x7FD]  }
0xf9: {  	[tilespmem:s22], [sflag:$0x1] =	stream.indirect.gather [hbm4b:s5+s17], $0xA, s9, s17, $0xb8;
	[tilespmem:$0x11DA0] =	vst v63  }
0xfa: {  	s22 =	simm.s32 $0x108C0  }
0xfb: {  	[tilespmem:s22], [sflag:$0x1] =	stream.indirect.gather [hbm4b:s5+s19], $0xA, s1, s19, $0xb8;
	[tilespmem:$0x11DA0] =	vst v63  }
0xfc: {  	s8 =	rddreg [dreg:$0x3];
	s9 =	simm.s32 $0x10DA0  }
0xfd: {  	[tilespmem:s9], [sflag:$0x1] =	stream.indirect.gather [hbm4b:s8+s23], $0xA, s12, s23, $0xb8;
	[tilespmem:$0x11DA0] =	vst v63  }
0xfe: {  	s1 =	rddreg [dreg:$0x4]  }
0xff: {  	[tilespmem:s25], [sflag:$0x1] =	stream.indirect.gather [hbm4b:s1+s23], $0xA, s13, s23, $0xb8;
	[tilespmem:$0x11DA0] =	vst v63  }
0x100: {  	s22 =	rddreg [dreg:$0x5]  }
0x101: {  	[tilespmem:s26], [sflag:$0x1] =	stream.indirect.gather [hbm4b:s22+s23], $0xA, s14, s23, $0xb8;
	[tilespmem:$0x11DA0] =	vst v63  }
0x102: {  	s1 =	rddreg [dreg:$0x6]  }
0x103: {  	[tilespmem:s28], [sflag:$0x1] =	stream.indirect.gather [hbm4b:s1+s23], $0xA, s15, s23, $0xb8;
	[tilespmem:$0x11DA0] =	vst v63  }
0x104: {  	s22 =	rddreg [dreg:$0x7]  }
0x105: {  	[tilespmem:s29], [sflag:$0x1] =	stream.indirect.gather [hbm4b:s22+s23], $0xA, s16, s23, $0xb8;
	[tilespmem:$0x11DA0] =	vst v63  }
0x106: {  	s1 =	rddreg [dreg:$0x8]  }
0x107: {  	[tilespmem:s30], [sflag:$0x1] =	stream.indirect.gather [hbm4b:s1+s23], $0xA, s18, s23, $0xb8;
	[tilespmem:$0x11DA0] =	vst v63  }
0x108: {  	s22 =	rddreg [dreg:$0x9]  }
0x109: {  	[tilespmem:s31], [sflag:$0x1] =	stream.indirect.gather [hbm4b:s22+s23], $0x1E, s20, s23, $0xb8;
	[tilespmem:$0x11DA0] =	vst v63  }
0x10a: {  	_ =	swait.ge [sflag:s0], $0x3E80  }
0x10b: {  	[sflag:s0] =	ssyncset.done $0x0  }
0x10c: {  	[sflag:s0] =	ssyncadd.s32 $0xFFFFC180  }
0x10d: {  	_ =	swait.ge [sflag:s0], $0x1F40  }
0x10e: {  	[sflag:s0] =	ssyncset.done $0x0  }
0x10f: {  	[sflag:s0] =	ssyncadd.s32 $0xFFFFE0C0  }
0x110: {  	_ =	swait.ge [sflag:s0], $0x3E80  }
0x111: {  	[sflag:s0] =	ssyncset.done $0x0  }
0x112: {  	[sflag:s0] =	ssyncadd.s32 $0xFFFFC180  }
0x113: {  	_ =	swait.ge [sflag:s0], $0x140  }
0x114: {  	[sflag:s0] =	ssyncset.done $0x0  }
0x115: {  	[sflag:s0] =	ssyncadd.s32 $0xFFFFFEC0  }
0x116: {  	_ =	swait.ge [sflag:s0], $0x140  }
0x117: {  	[sflag:s0] =	ssyncset.done $0x0  }
0x118: {  	[sflag:s0] =	ssyncadd.s32 $0xFFFFFEC0  }
0x119: {  	_ =	swait.ge [sflag:s0], $0x140  }
0x11a: {  	[sflag:s0] =	ssyncset.done $0x0  }
0x11b: {  	[sflag:s0] =	ssyncadd.s32 $0xFFFFFEC0  }
0x11c: {  	_ =	swait.ge [sflag:s0], $0x140  }
0x11d: {  	[sflag:s0] =	ssyncset.done $0x0  }
0x11e: {  	[sflag:s0] =	ssyncadd.s32 $0xFFFFFEC0  }
0x11f: {  	_ =	swait.ge [sflag:s0], $0x140  }
0x120: {  	[sflag:s0] =	ssyncset.done $0x0  }
0x121: {  	[sflag:s0] =	ssyncadd.s32 $0xFFFFFEC0  }
0x122: {  	_ =	swait.ge [sflag:s0], $0x140  }
0x123: {  	[sflag:s0] =	ssyncset.done $0x0  }
0x124: {  	[sflag:s0] =	ssyncadd.s32 $0xFFFFFEC0  }
0x125: {  	_ =	swait.ge [sflag:s0], $0x3C0  }
0x126: {  	[sflag:s0] =	ssyncset.done $0x0  }
0x127: {  	s22 =	rddreg [dreg:$0x14];
	[sflag:s0] =	ssyncadd.s32 $0xFFFFFC40  }
0x128: {  	[hbm4b:s22+s2] =	stream.linear.scatter [tilespmem:s21], [sflag:$0x2], $0x6400, $0x38;
	[tilespmem:$0x11DA0] =	vst v63  }
0x129: {  	_ =	swait.ge [sflag:s7], $0x6400  }
0x12a: {  	[sflag:s7] =	ssyncset.done $0x0  }
0x12b: {  	s8 =	rddreg [dreg:$0x15];
	[sflag:s7] =	ssyncadd.s32 $0xFFFF9C00  }
0x12c: {  	[hbm4b:s8+s2] =	stream.linear.scatter [tilespmem:s24], [sflag:$0x2], $0x3200, $0x38;
	[tilespmem:$0x11DA0] =	vst v63  }
0x12d: {  	_ =	swait.ge [sflag:s7], $0x3200  }
0x12e: {  	[sflag:s7] =	ssyncset.done $0x0  }
0x12f: {  	s22 =	rddreg [dreg:$0x16];
	[sflag:s7] =	ssyncadd.s32 $0xFFFFCE00  }
0x130: {  	[hbm4b:s22+s2] =	stream.linear.scatter [tilespmem:s10], [sflag:$0x2], $0x6400, $0x38;
	[tilespmem:$0x11DA0] =	vst v63  }
0x131: {  	_ =	swait.ge [sflag:s7], $0x6400  }
0x132: {  	[sflag:s7] =	ssyncset.done $0x0  }
0x133: {  	s8 =	rddreg [dreg:$0x17];
	[sflag:s7] =	ssyncadd.s32 $0xFFFF9C00  }
0x134: {  	[hbm4b:s8+s2] =	stream.linear.scatter [tilespmem:s9], [sflag:$0x2], $0x200, $0x38;
	[tilespmem:$0x11DA0] =	vst v63  }
0x135: {  	_ =	swait.ge [sflag:s7], $0x200  }
0x136: {  	[sflag:s7] =	ssyncset.done $0x0  }
0x137: {  	s10 =	rddreg [dreg:$0x18];
	[sflag:s7] =	ssyncadd.s32 $0xFFFFFE00  }
0x138: {  	[hbm4b:s10+s2] =	stream.linear.scatter [tilespmem:s25], [sflag:$0x2], $0x200, $0x38;
	[tilespmem:$0x11DA0] =	vst v63  }
0x139: {  	_ =	swait.ge [sflag:s7], $0x200  }
0x13a: {  	[sflag:s7] =	ssyncset.done $0x0  }
0x13b: {  	s22 =	rddreg [dreg:$0x19];
	[sflag:s7] =	ssyncadd.s32 $0xFFFFFE00  }
0x13c: {  	[hbm4b:s22+s2] =	stream.linear.scatter [tilespmem:s26], [sflag:$0x2], $0x200, $0x38;
	[tilespmem:$0x11DA0] =	vst v63  }
0x13d: {  	_ =	swait.ge [sflag:s7], $0x200  }
0x13e: {  	[sflag:s7] =	ssyncset.done $0x0  }
0x13f: {  	s8 =	rddreg [dreg:$0x1a];
	[sflag:s7] =	ssyncadd.s32 $0xFFFFFE00  }
0x140: {  	[hbm4b:s8+s2] =	stream.linear.scatter [tilespmem:s28], [sflag:$0x2], $0x200, $0x38;
	[tilespmem:$0x11DA0] =	vst v63  }
0x141: {  	_ =	swait.ge [sflag:s7], $0x200  }
0x142: {  	[sflag:s7] =	ssyncset.done $0x0  }
0x143: {  	s9 =	rddreg [dreg:$0x1b];
	[sflag:s7] =	ssyncadd.s32 $0xFFFFFE00  }
0x144: {  	[hbm4b:s9+s2] =	stream.linear.scatter [tilespmem:s29], [sflag:$0x2], $0x200, $0x38;
	[tilespmem:$0x11DA0] =	vst v63  }
0x145: {  	_ =	swait.ge [sflag:s7], $0x200  }
0x146: {  	[sflag:s7] =	ssyncset.done $0x0  }
0x147: {  	s10 =	rddreg [dreg:$0x1c];
	[sflag:s7] =	ssyncadd.s32 $0xFFFFFE00  }
0x148: {  	[hbm4b:s10+s2] =	stream.linear.scatter [tilespmem:s30], [sflag:$0x2], $0x200, $0x38;
	[tilespmem:$0x11DA0] =	vst v63  }
0x149: {  	_ =	swait.ge [sflag:s7], $0x200  }
0x14a: {  	p0 =	sne.s32 s6, $0x1;
	[sflag:s7] =	ssyncset.done $0x0  }
.Ltmp0:
0x14b: {  	s22 =	rddreg [dreg:$0x1d];
	[sflag:s7] =	ssyncadd.s32 $0xFFFFFE00;
	(pc) =	sbr.rel @p0 .LBB2_1-.Ltmp0, $4  }
0x14c: {  	[hbm4b:s22+s2] =	stream.linear.scatter [tilespmem:s31], [sflag:$0x2], $0x400, $0x38;
	[tilespmem:$0x11DA0] =	vst v63  }
0x14d: {  	_ =	swait.ge [sflag:s7], $0x400  }
0x14e: {  	[sflag:s7] =	ssyncset.done $0x0  }
0x14f: {  	s6 =	sadd.s32 $0xFFFFFFFF, s6;
	[sflag:s7] =	ssyncadd.s32 $0xFFFFFC00  }
0x150: {  	_ =	sfence.sel $0x180000  }
0x151: {  	[bflag:$0x0] =	sbarrier.arrive $0xFFFF  }
0x152: {  	_ =	strace $0x90000047  }
0x153: {  	s0 =	stileid.u32;
	[bflag:$0x2] =	sbarrier.arrive $0xFFFF  }
0x154: {  	p0 =	sne.s32 s0, $0x0;
	s0 =	rddreg [dreg:$0x2]  }
0x155: {  	s0 =	sadd.s32 @!p0 $0x100000, s0  }
0x156: {  	[sflag:s0] =	ssyncadd.tile.s32 @!p0 $0x1;
	_ =	shalt  }
.Lfunc_end2:
_tile_overlayer_lowered:
.L_overlay_start_2:
0x157: {  	(tag) =	ssettag $0x2  }
0x158: {  	s0 =	rddreg [dreg:$0x0];
	s2 =	stileid.u32  }
0x159: {  	s1 =	rddreg [dreg:$0x1];
	p0 =	sne.s32 s2, $0x0  }
0x15a: {  	s3 =	rddreg [dreg:$0x2];
	[bflag:$0x3] =	sbarrier.arrive $0xFFFF;
	s2 =	simm.s32 @!p0 $0x1C02  }
0x15b: {  	[timem:s3], [sflag:s2] =	dma.local @!p0 [hbm:s0], s1  }
0x15c: {  	s0 =	simm.s32 @!p0 $0x2  }
0x15d: {  	_ =	swait.ge @!p0 [sflag:s0], s1  }
0x15e: {  	s1 =	ssub.s32 @!p0 $0x0, s1;
	[sflag:s0] =	ssyncset.done @!p0 $0x0  }
0x15f: {  	[sflag:s0] =	ssyncadd.s32 @!p0 s1  }
0x160: {  	[bflag:$0x3] =	sbarrier.arrive $0xFFFF  }
0x161: {  	_ =	shalt  }

</sc_bundles>
